<compile_context>
chip_gen: v7x
topology: tpu7x:2x2x1
jax: 0.10.2.dev20260603
libtpu: 0.0.44.dev20260713+nightly
codegen_flags: <defaults>
</compile_context>

<pallas_src>
import functools

import numpy as np
import jax
import jax.numpy as jnp
from jax import lax
from jax.experimental import pallas as pl
from jax.experimental.pallas import tpu as pltpu
from jax.experimental.pallas import tpu_sc as plsc

_NUM_BINS = 512
_NUM_TILINGS = 16
_BATCH = 16384

_NC = 2
_NS = 16
_L = 16
_NW = _NC * _NS
_SPW = _BATCH // _NW
_GPW = _SPW // _L

_W = np.float32(6.0) / np.float32(_NUM_BINS)
_RW = np.float32(1.0) / _W
_OSTEP = np.float32(np.float32(1.0) / np.float32(_NUM_TILINGS)) * _W

_TSTRIDE = _NUM_BINS * _NUM_BINS
_ASTRIDE = _NUM_TILINGS * _TSTRIDE

_mesh = plsc.VectorSubcoreMesh(core_axis_name="c", subcore_axis_name="s")


@functools.partial(
    pl.kernel,
    mesh=_mesh,
    out_type=jax.ShapeDtypeStruct((2, _BATCH), jnp.float32),
    scratch_types=[
        pltpu.VMEM((4 * _SPW,), jnp.float32),
        pltpu.VMEM((_SPW,), jnp.float32),
        pltpu.VMEM((_SPW,), jnp.float32),
        pltpu.VMEM((_SPW,), jnp.int32),
        pltpu.VMEM((_NUM_TILINGS * _SPW,), jnp.int32),
        pltpu.VMEM((_NUM_TILINGS * _SPW,), jnp.float32),
        pltpu.VMEM((_NUM_TILINGS * _SPW,), jnp.float32),
        pltpu.VMEM((_SPW,), jnp.float32),
        pltpu.VMEM((_SPW,), jnp.float32),
        pltpu.SemaphoreType.DMA,
    ],
)
def _tile_coding_sc(cols_hbm, wp_hbm, wv_hbm, out_hbm,
                    cols_v, d0_v, d1_v, ab_v, idx_v, gp_v, gv_v,
                    accp_v, accv_v, sem):
    wid = lax.axis_index("s") * _NC + lax.axis_index("c")
    base = wid * _SPW

    for c in range(4):
        pltpu.sync_copy(cols_hbm.at[pl.ds(c * _BATCH + base, _SPW)],
                        cols_v.at[pl.ds(c * _SPW, _SPW)])

    def pre_body(g, carry):
        s = g * _L
        x0 = cols_v[pl.ds(s, _L)]
        x1 = cols_v[pl.ds(_SPW + s, _L)]
        s3 = cols_v[pl.ds(2 * _SPW + s, _L)]
        s4 = cols_v[pl.ds(3 * _SPW + s, _L)]
        d0_v[pl.ds(s, _L)] = x0 + 3.0
        d1_v[pl.ds(s, _L)] = x1 + 3.0
        ab_v[pl.ds(s, _L)] = (s3 + 2.0 * s4).astype(jnp.int32) * _ASTRIDE
        return carry

    lax.fori_loop(0, _GPW, pre_body, 0)

    def fire_body(t, carry):
        toff = t * _SPW
        o = t.astype(jnp.float32) * jnp.float32(_OSTEP)
        tbase = t * _TSTRIDE

        def idx_body(h, carry2):
            for u in range(2):
                s = h * (2 * _L) + u * _L
                d0 = d0_v[pl.ds(s, _L)]
                d1 = d1_v[pl.ds(s, _L)]
                ab = ab_v[pl.ds(s, _L)]
                q0 = (d0 + o) * _RW
                q1 = (d1 + o) * _RW
                i0 = jnp.clip(q0.astype(jnp.int32), 0, _NUM_BINS - 1)
                i1 = jnp.clip(q1.astype(jnp.int32), 0, _NUM_BINS - 1)
                flat = (ab + tbase
                        + (i0 >> 3) * 4096 + (i1 >> 7) * 1024
                        + (i0 & 7) * 128 + (i1 & 127))
                idx_v[pl.ds(toff + s, _L)] = flat
            return carry2

        lax.fori_loop(0, _GPW // 2, idx_body, 0)
        sl = pl.ds(toff, _SPW)
        pltpu.make_async_copy(wp_hbm.at[idx_v.at[sl]], gp_v.at[sl],
                              sem).start()
        pltpu.make_async_copy(wv_hbm.at[idx_v.at[sl]], gv_v.at[sl],
                              sem).start()
        return carry

    lax.fori_loop(0, _NUM_TILINGS, fire_body, 0)

    def drain_wait(t, carry):
        sl = pl.ds(t * _SPW, _SPW)
        pltpu.make_async_copy(wp_hbm.at[idx_v.at[sl]], gp_v.at[sl],
                              sem).wait()
        pltpu.make_async_copy(wv_hbm.at[idx_v.at[sl]], gv_v.at[sl],
                              sem).wait()
        return carry

    lax.fori_loop(0, _NUM_TILINGS, drain_wait, 0)

    def red_body(g, carry):
        s = g * _L
        acc_p = gp_v[pl.ds(s, _L)]
        acc_v = gv_v[pl.ds(s, _L)]
        for t in range(1, _NUM_TILINGS):
            toff = t * _SPW + s
            acc_p = acc_p + gp_v[pl.ds(toff, _L)]
            acc_v = acc_v + gv_v[pl.ds(toff, _L)]
        accp_v[pl.ds(s, _L)] = acc_p
        accv_v[pl.ds(s, _L)] = acc_v
        return carry

    lax.fori_loop(0, _GPW, red_body, 0)

    pltpu.sync_copy(accp_v, out_hbm.at[0, pl.ds(base, _SPW)])
    pltpu.sync_copy(accv_v, out_hbm.at[1, pl.ds(base, _SPW)])


def kernel(state, weights_p, weights_v):
    cols = jnp.concatenate(
        [state[:, 0], state[:, 1], state[:, 3], state[:, 4]])

    def _tiled_view(w):
        return w.reshape(3, _NUM_TILINGS, _NUM_BINS // 8, 8,
                         _NUM_BINS // 128, 128)\
                .transpose(0, 1, 2, 4, 3, 5).reshape(-1)

    res = _tile_coding_sc(cols, _tiled_view(weights_p), _tiled_view(weights_v))
    return res.T

# --- scband reference (transcript-rebuilt; emitter-appended) ---
"""Pipeline reference for scband-tile-coding-joint-46402826666079 (READ-ONLY COPY).

The authoritative reference and input builder live on the scoring server;
editing this copy changes nothing except your own understanding.
"""

import jax, jax.numpy as jnp
import numpy as np

NUM_ACTIONS = 3
NUM_BINS = 512
NUM_TILINGS = 16
LOWS = jnp.array([-3.0, -3.0], dtype=jnp.float32)
HIGHS = jnp.array([3.0, 3.0], dtype=jnp.float32)
BATCH = 16384


def _tile_indices(x):
    # x: [bs, 2] continuous state (position, velocity)
    widths = (HIGHS - LOWS) / NUM_BINS  # [2]
    frac = jnp.arange(NUM_TILINGS, dtype=jnp.float32) / NUM_TILINGS  # [T]
    offsets = frac[:, None] * widths[None, :]  # [T, 2] per-tiling offset
    idx = jnp.floor((x[:, None, :] - LOWS[None, None, :] + offsets[None, :, :]) / widths[None, None, :])
    idx = jnp.clip(idx, 0, NUM_BINS - 1).astype(jnp.int32)  # [bs, T, 2]
    return idx


def setup_inputs(seed: int = 0) -> dict:
    key = jax.random.key(seed)
    k1, k2, k3, k4 = jax.random.split(key, 4)
    cont = jax.random.normal(k1, (BATCH, 2), dtype=jnp.float32)
    action = jax.random.randint(k2, (BATCH,), 0, NUM_ACTIONS)
    onehot = jax.nn.one_hot(action, NUM_ACTIONS, dtype=jnp.float32)
    state = jnp.concatenate([cont, onehot], axis=1)  # [bs, 5]
    weights_p = jax.random.normal(k3, (NUM_ACTIONS, NUM_TILINGS, NUM_BINS, NUM_BINS), dtype=jnp.float32) * 0.01
    weights_v = jax.random.normal(k4, (NUM_ACTIONS, NUM_TILINGS, NUM_BINS, NUM_BINS), dtype=jnp.float32) * 0.01
    return {"state": state, "weights_p": weights_p, "weights_v": weights_v}


def reference(state, weights_p, weights_v):
    # Faithful translation of TileCoding_Joint.forward:
    # per-sample action selects a TileCoding for p-head and v-head;
    # each TileCoding sums one learned weight per tiling at the binned index.
    p_v = state[:, :2]
    action = jnp.argmax(state[:, 2:], axis=1)  # recover action from one-hot
    idx = _tile_indices(p_v)  # [bs, T, 2]
    ti = jnp.arange(NUM_TILINGS)[None, :]  # [1, T]
    a = action[:, None]  # [bs, 1]
    p = weights_p[a, ti, idx[..., 0], idx[..., 1]].sum(axis=1)  # [bs]
    v = weights_v[a, ti, idx[..., 0], idx[..., 1]].sum(axis=1)  # [bs]
    return jnp.stack([p, v], axis=1)  # [bs, 2]

if __name__ == "__main__":
    import jax
    _d = setup_inputs()
    print(jax.jit(kernel)(*tuple(_d.values())))

</pallas_src>

<mosaic_0001>
#map = affine_map<(d0, d1) -> (0)>
#map1 = affine_map<(d0, d1) -> (0, 0)>
module attributes {stable_mosaic.version = 14 : i64} {
  func.func @_tile_coding_sc(%arg0: i32, %arg1: i32, %arg2: memref<65536xf32, #tpu.memory_space<hbm>>, %arg3: memref<12582912xf32, #tpu.memory_space<hbm>>, %arg4: memref<12582912xf32, #tpu.memory_space<hbm>>, %arg5: memref<2x16384xf32, #tpu.memory_space<hbm>>, %arg6: memref<2048xf32, #tpu.memory_space<vmem>>, %arg7: memref<512xf32, #tpu.memory_space<vmem>>, %arg8: memref<512xf32, #tpu.memory_space<vmem>>, %arg9: memref<512xi32, #tpu.memory_space<vmem>>, %arg10: memref<8192xi32, #tpu.memory_space<vmem>>, %arg11: memref<8192xf32, #tpu.memory_space<vmem>>, %arg12: memref<8192xf32, #tpu.memory_space<vmem>>, %arg13: memref<512xf32, #tpu.memory_space<vmem>>, %arg14: memref<512xf32, #tpu.memory_space<vmem>>, %arg15: memref<!tpu.dma_semaphore, #tpu.memory_space<semaphore_mem>>) attributes {dimension_semantics = [#tpu.dimension_semantics<core_parallel>, #tpu.dimension_semantics<subcore_parallel>], iteration_bounds = array<i64: 2, 16>, scalar_prefetch = 0 : i64, scratch_operands = 10 : i64, tpu.core_type = #tpu.core_type<sc_vector_subcore>, window_params = [{transform_indices = #map}, {transform_indices = #map}, {transform_indices = #map}, {transform_indices = #map1}]} {
    %mul3A = arith.constant 2 : i32
    %mul3A_0 = arith.muli %arg1, %mul3A : i32
    %add3A = arith.addi %mul3A_0, %arg0 : i32
    %mul3A_1 = arith.constant 512 : i32
    %mul3A_2 = arith.muli %add3A, %mul3A_1 : i32
    %add3A_3 = arith.constant 0 : i32
    %add3A_4 = arith.addi %add3A_3, %mul3A_2 : i32
    "tpu.region"() ({
      %run_scoped3A_35 = tpu.sem_alloc : memref<!tpu.dma_semaphore, #tpu.memory_space<semaphore_mem>>
      %dma_start3A = arith.constant 0 : i32
      %dma_start3A_36 = tpu.memref_slice %arg6[%dma_start3A] : memref<2048xf32, #tpu.memory_space<vmem>> -> memref<512xf32, #tpu.memory_space<vmem>>
      %dma_start3A_37 = tpu.memref_slice %arg2[%add3A_4] : memref<65536xf32, #tpu.memory_space<hbm>> -> memref<512xf32, #tpu.memory_space<hbm>>
      %dma_start3A_38 = arith.constant 0 : i32
      %dma_start3A_39 = tpu.memref_slice %arg6[%dma_start3A_38] : memref<2048xf32, #tpu.memory_space<vmem>> -> memref<512xf32, #tpu.memory_space<vmem>>
      %dma_start3A_40 = tpu.memref_slice %arg2[%add3A_4] : memref<65536xf32, #tpu.memory_space<hbm>> -> memref<512xf32, #tpu.memory_space<hbm>>
      tpu.enqueue_dma source(%dma_start3A_40 : memref<512xf32, #tpu.memory_space<hbm>>) target(%dma_start3A_39 : memref<512xf32, #tpu.memory_space<vmem>>) target_semaphore(%run_scoped3A_35 : memref<!tpu.dma_semaphore, #tpu.memory_space<semaphore_mem>>)
      %dma_wait3A = arith.constant 0 : i32
      %dma_wait3A_41 = tpu.memref_slice %arg6[%dma_wait3A] : memref<2048xf32, #tpu.memory_space<vmem>> -> memref<512xf32, #tpu.memory_space<vmem>>
      %dma_wait3A_42 = tpu.memref_slice %arg2[%add3A_4] : memref<65536xf32, #tpu.memory_space<hbm>> -> memref<512xf32, #tpu.memory_space<hbm>>
      %dma_wait3A_43 = arith.constant 0 : i32
      %dma_wait3A_44 = tpu.memref_slice %arg6[%dma_wait3A_43] : memref<2048xf32, #tpu.memory_space<vmem>> -> memref<512xf32, #tpu.memory_space<vmem>>
      %dma_wait3A_45 = tpu.memref_slice %arg2[%add3A_4] : memref<65536xf32, #tpu.memory_space<hbm>> -> memref<512xf32, #tpu.memory_space<hbm>>
      tpu.wait_dma2 semaphore(%run_scoped3A_35 : memref<!tpu.dma_semaphore, #tpu.memory_space<semaphore_mem>>) src(%dma_wait3A_45 : memref<512xf32, #tpu.memory_space<hbm>>) dst(%dma_wait3A_44 : memref<512xf32, #tpu.memory_space<vmem>>)
      tpu.yield
    }) : () -> ()
    %add3A_5 = arith.constant 16384 : i32
    %add3A_6 = arith.addi %add3A_5, %mul3A_2 : i32
    "tpu.region"() ({
      %run_scoped3A_35 = tpu.sem_alloc : memref<!tpu.dma_semaphore, #tpu.memory_space<semaphore_mem>>
      %dma_start3A = arith.constant 512 : i32
      %dma_start3A_36 = tpu.memref_slice %arg6[%dma_start3A] : memref<2048xf32, #tpu.memory_space<vmem>> -> memref<512xf32, #tpu.memory_space<vmem>>
      %dma_start3A_37 = tpu.memref_slice %arg2[%add3A_6] : memref<65536xf32, #tpu.memory_space<hbm>> -> memref<512xf32, #tpu.memory_space<hbm>>
      %dma_start3A_38 = arith.constant 512 : i32
      %dma_start3A_39 = tpu.memref_slice %arg6[%dma_start3A_38] : memref<2048xf32, #tpu.memory_space<vmem>> -> memref<512xf32, #tpu.memory_space<vmem>>
      %dma_start3A_40 = tpu.memref_slice %arg2[%add3A_6] : memref<65536xf32, #tpu.memory_space<hbm>> -> memref<512xf32, #tpu.memory_space<hbm>>
      tpu.enqueue_dma source(%dma_start3A_40 : memref<512xf32, #tpu.memory_space<hbm>>) target(%dma_start3A_39 : memref<512xf32, #tpu.memory_space<vmem>>) target_semaphore(%run_scoped3A_35 : memref<!tpu.dma_semaphore, #tpu.memory_space<semaphore_mem>>)
      %dma_wait3A = arith.constant 512 : i32
      %dma_wait3A_41 = tpu.memref_slice %arg6[%dma_wait3A] : memref<2048xf32, #tpu.memory_space<vmem>> -> memref<512xf32, #tpu.memory_space<vmem>>
      %dma_wait3A_42 = tpu.memref_slice %arg2[%add3A_6] : memref<65536xf32, #tpu.memory_space<hbm>> -> memref<512xf32, #tpu.memory_space<hbm>>
      %dma_wait3A_43 = arith.constant 512 : i32
      %dma_wait3A_44 = tpu.memref_slice %arg6[%dma_wait3A_43] : memref<2048xf32, #tpu.memory_space<vmem>> -> memref<512xf32, #tpu.memory_space<vmem>>
      %dma_wait3A_45 = tpu.memref_slice %arg2[%add3A_6] : memref<65536xf32, #tpu.memory_space<hbm>> -> memref<512xf32, #tpu.memory_space<hbm>>
      tpu.wait_dma2 semaphore(%run_scoped3A_35 : memref<!tpu.dma_semaphore, #tpu.memory_space<semaphore_mem>>) src(%dma_wait3A_45 : memref<512xf32, #tpu.memory_space<hbm>>) dst(%dma_wait3A_44 : memref<512xf32, #tpu.memory_space<vmem>>)
      tpu.yield
    }) : () -> ()
    %add3A_7 = arith.constant 32768 : i32
    %add3A_8 = arith.addi %add3A_7, %mul3A_2 : i32
    "tpu.region"() ({
      %run_scoped3A_35 = tpu.sem_alloc : memref<!tpu.dma_semaphore, #tpu.memory_space<semaphore_mem>>
      %dma_start3A = arith.constant 1024 : i32
      %dma_start3A_36 = tpu.memref_slice %arg6[%dma_start3A] : memref<2048xf32, #tpu.memory_space<vmem>> -> memref<512xf32, #tpu.memory_space<vmem>>
      %dma_start3A_37 = tpu.memref_slice %arg2[%add3A_8] : memref<65536xf32, #tpu.memory_space<hbm>> -> memref<512xf32, #tpu.memory_space<hbm>>
      %dma_start3A_38 = arith.constant 1024 : i32
      %dma_start3A_39 = tpu.memref_slice %arg6[%dma_start3A_38] : memref<2048xf32, #tpu.memory_space<vmem>> -> memref<512xf32, #tpu.memory_space<vmem>>
      %dma_start3A_40 = tpu.memref_slice %arg2[%add3A_8] : memref<65536xf32, #tpu.memory_space<hbm>> -> memref<512xf32, #tpu.memory_space<hbm>>
      tpu.enqueue_dma source(%dma_start3A_40 : memref<512xf32, #tpu.memory_space<hbm>>) target(%dma_start3A_39 : memref<512xf32, #tpu.memory_space<vmem>>) target_semaphore(%run_scoped3A_35 : memref<!tpu.dma_semaphore, #tpu.memory_space<semaphore_mem>>)
      %dma_wait3A = arith.constant 1024 : i32
      %dma_wait3A_41 = tpu.memref_slice %arg6[%dma_wait3A] : memref<2048xf32, #tpu.memory_space<vmem>> -> memref<512xf32, #tpu.memory_space<vmem>>
      %dma_wait3A_42 = tpu.memref_slice %arg2[%add3A_8] : memref<65536xf32, #tpu.memory_space<hbm>> -> memref<512xf32, #tpu.memory_space<hbm>>
      %dma_wait3A_43 = arith.constant 1024 : i32
      %dma_wait3A_44 = tpu.memref_slice %arg6[%dma_wait3A_43] : memref<2048xf32, #tpu.memory_space<vmem>> -> memref<512xf32, #tpu.memory_space<vmem>>
      %dma_wait3A_45 = tpu.memref_slice %arg2[%add3A_8] : memref<65536xf32, #tpu.memory_space<hbm>> -> memref<512xf32, #tpu.memory_space<hbm>>
      tpu.wait_dma2 semaphore(%run_scoped3A_35 : memref<!tpu.dma_semaphore, #tpu.memory_space<semaphore_mem>>) src(%dma_wait3A_45 : memref<512xf32, #tpu.memory_space<hbm>>) dst(%dma_wait3A_44 : memref<512xf32, #tpu.memory_space<vmem>>)
      tpu.yield
    }) : () -> ()
    %add3A_9 = arith.constant 49152 : i32
    %add3A_10 = arith.addi %add3A_9, %mul3A_2 : i32
    "tpu.region"() ({
      %run_scoped3A_35 = tpu.sem_alloc : memref<!tpu.dma_semaphore, #tpu.memory_space<semaphore_mem>>
      %dma_start3A = arith.constant 1536 : i32
      %dma_start3A_36 = tpu.memref_slice %arg6[%dma_start3A] : memref<2048xf32, #tpu.memory_space<vmem>> -> memref<512xf32, #tpu.memory_space<vmem>>
      %dma_start3A_37 = tpu.memref_slice %arg2[%add3A_10] : memref<65536xf32, #tpu.memory_space<hbm>> -> memref<512xf32, #tpu.memory_space<hbm>>
      %dma_start3A_38 = arith.constant 1536 : i32
      %dma_start3A_39 = tpu.memref_slice %arg6[%dma_start3A_38] : memref<2048xf32, #tpu.memory_space<vmem>> -> memref<512xf32, #tpu.memory_space<vmem>>
      %dma_start3A_40 = tpu.memref_slice %arg2[%add3A_10] : memref<65536xf32, #tpu.memory_space<hbm>> -> memref<512xf32, #tpu.memory_space<hbm>>
      tpu.enqueue_dma source(%dma_start3A_40 : memref<512xf32, #tpu.memory_space<hbm>>) target(%dma_start3A_39 : memref<512xf32, #tpu.memory_space<vmem>>) target_semaphore(%run_scoped3A_35 : memref<!tpu.dma_semaphore, #tpu.memory_space<semaphore_mem>>)
      %dma_wait3A = arith.constant 1536 : i32
      %dma_wait3A_41 = tpu.memref_slice %arg6[%dma_wait3A] : memref<2048xf32, #tpu.memory_space<vmem>> -> memref<512xf32, #tpu.memory_space<vmem>>
      %dma_wait3A_42 = tpu.memref_slice %arg2[%add3A_10] : memref<65536xf32, #tpu.memory_space<hbm>> -> memref<512xf32, #tpu.memory_space<hbm>>
      %dma_wait3A_43 = arith.constant 1536 : i32
      %dma_wait3A_44 = tpu.memref_slice %arg6[%dma_wait3A_43] : memref<2048xf32, #tpu.memory_space<vmem>> -> memref<512xf32, #tpu.memory_space<vmem>>
      %dma_wait3A_45 = tpu.memref_slice %arg2[%add3A_10] : memref<65536xf32, #tpu.memory_space<hbm>> -> memref<512xf32, #tpu.memory_space<hbm>>
      tpu.wait_dma2 semaphore(%run_scoped3A_35 : memref<!tpu.dma_semaphore, #tpu.memory_space<semaphore_mem>>) src(%dma_wait3A_45 : memref<512xf32, #tpu.memory_space<hbm>>) dst(%dma_wait3A_44 : memref<512xf32, #tpu.memory_space<vmem>>)
      tpu.yield
    }) : () -> ()
    %scan3A = arith.constant 0 : i32
    %scan3A_11 = arith.constant 0 : i32
    %scan3A_12 = arith.constant 32 : i32
    %scan3A_13 = arith.addi %scan3A_11, %scan3A_12 : i32
    %scan3A_14 = arith.constant 1 : i32
    scf.for %scan3A_35 = %scan3A_11 to %scan3A_13 step %scan3A_14  : i32 {
      %mul3A_36 = arith.constant 16 : i32
      %mul3A_37 = arith.muli %scan3A_35, %mul3A_36 : i32
      %get3A = arith.index_cast %mul3A_37 : i32 to index
      %get3A_38 = tpu.vector_load %arg6[%get3A] {strides = array<i32>} : memref<2048xf32, #tpu.memory_space<vmem>>, vector<16xf32>,
      %get3A_39 = vector.shape_cast %get3A_38 : vector<16xf32> to vector<16xf32>
      %add3A_40 = arith.constant 512 : i32
      %add3A_41 = arith.addi %add3A_40, %mul3A_37 : i32
      %get3A_42 = arith.index_cast %add3A_41 : i32 to index
      %get3A_43 = tpu.vector_load %arg6[%get3A_42] {strides = array<i32>} : memref<2048xf32, #tpu.memory_space<vmem>>, vector<16xf32>,
      %get3A_44 = vector.shape_cast %get3A_43 : vector<16xf32> to vector<16xf32>
      %add3A_45 = arith.constant 1024 : i32
      %add3A_46 = arith.addi %add3A_45, %mul3A_37 : i32
      %get3A_47 = arith.index_cast %add3A_46 : i32 to index
      %get3A_48 = tpu.vector_load %arg6[%get3A_47] {strides = array<i32>} : memref<2048xf32, #tpu.memory_space<vmem>>, vector<16xf32>,
      %get3A_49 = vector.shape_cast %get3A_48 : vector<16xf32> to vector<16xf32>
      %add3A_50 = arith.constant 1536 : i32
      %add3A_51 = arith.addi %add3A_50, %mul3A_37 : i32
      %get3A_52 = arith.index_cast %add3A_51 : i32 to index
      %get3A_53 = tpu.vector_load %arg6[%get3A_52] {strides = array<i32>} : memref<2048xf32, #tpu.memory_space<vmem>>, vector<16xf32>,
      %get3A_54 = vector.shape_cast %get3A_53 : vector<16xf32> to vector<16xf32>
      %add3A_55 = arith.constant 3.000000e+00 : f32
      %add3A_56 = vector.broadcast %add3A_55 : f32 to vector<16xf32>
      %add3A_57 = arith.addf %get3A_39, %add3A_56 : vector<16xf32>
      %swap3A = arith.index_cast %mul3A_37 : i32 to index
      %swap3A_58 = tpu.vector_load %arg7[%swap3A] {strides = array<i32>} : memref<512xf32, #tpu.memory_space<vmem>>, vector<16xf32>,
      %swap3A_59 = vector.shape_cast %swap3A_58 : vector<16xf32> to vector<16xf32>
      %swap3A_60 = vector.shape_cast %add3A_57 : vector<16xf32> to vector<16xf32>
      tpu.vector_store %arg7[%swap3A], %swap3A_60 {strides = array<i32>} : memref<512xf32, #tpu.memory_space<vmem>>, vector<16xf32>,
      %add3A_61 = arith.constant 3.000000e+00 : f32
      %add3A_62 = vector.broadcast %add3A_61 : f32 to vector<16xf32>
      %add3A_63 = arith.addf %get3A_44, %add3A_62 : vector<16xf32>
      %swap3A_64 = arith.index_cast %mul3A_37 : i32 to index
      %swap3A_65 = tpu.vector_load %arg8[%swap3A_64] {strides = array<i32>} : memref<512xf32, #tpu.memory_space<vmem>>, vector<16xf32>,
      %swap3A_66 = vector.shape_cast %swap3A_65 : vector<16xf32> to vector<16xf32>
      %swap3A_67 = vector.shape_cast %add3A_63 : vector<16xf32> to vector<16xf32>
      tpu.vector_store %arg8[%swap3A_64], %swap3A_67 {strides = array<i32>} : memref<512xf32, #tpu.memory_space<vmem>>, vector<16xf32>,
      %mul3A_68 = arith.constant 2.000000e+00 : f32
      %mul3A_69 = vector.broadcast %mul3A_68 : f32 to vector<16xf32>
      %mul3A_70 = arith.mulf %mul3A_69, %get3A_54 : vector<16xf32>
      %add3A_71 = arith.addf %get3A_49, %mul3A_70 : vector<16xf32>
      %convert_element_type3A = arith.fptosi %add3A_71 : vector<16xf32> to vector<16xi32>
      %mul3A_72 = arith.constant 4194304 : i32
      %mul3A_73 = vector.broadcast %mul3A_72 : i32 to vector<16xi32>
      %mul3A_74 = arith.muli %convert_element_type3A, %mul3A_73 : vector<16xi32>
      %swap3A_75 = arith.index_cast %mul3A_37 : i32 to index
      %swap3A_76 = tpu.vector_load %arg9[%swap3A_75] {strides = array<i32>} : memref<512xi32, #tpu.memory_space<vmem>>, vector<16xi32>,
      %swap3A_77 = vector.shape_cast %swap3A_76 : vector<16xi32> to vector<16xi32>
      %swap3A_78 = vector.shape_cast %mul3A_74 : vector<16xi32> to vector<16xi32>
      tpu.vector_store %arg9[%swap3A_75], %swap3A_78 {strides = array<i32>} : memref<512xi32, #tpu.memory_space<vmem>>, vector<16xi32>,
    }
    %scan3A_15 = arith.constant 32 : i32
    %scan3A_16 = arith.constant 0 : i32
    %scan3A_17 = arith.constant 0 : i32
    %scan3A_18 = arith.constant 16 : i32
    %scan3A_19 = arith.addi %scan3A_17, %scan3A_18 : i32
    %scan3A_20 = arith.constant 1 : i32
    scf.for %scan3A_35 = %scan3A_17 to %scan3A_19 step %scan3A_20  : i32 {
      %mul3A_36 = arith.constant 512 : i32
      %mul3A_37 = arith.muli %scan3A_35, %mul3A_36 : i32
      %convert_element_type3A = arith.sitofp %scan3A_35 : i32 to f32
      %mul3A_38 = arith.constant 7.32421875E-4 : f32
      %mul3A_39 = arith.mulf %convert_element_type3A, %mul3A_38 : f32
      %mul3A_40 = arith.constant 262144 : i32
      %mul3A_41 = arith.muli %scan3A_35, %mul3A_40 : i32
      %scan3A_42 = arith.constant 0 : i32
      %scan3A_43 = arith.constant 0 : i32
      %scan3A_44 = arith.constant 16 : i32
      %scan3A_45 = arith.addi %scan3A_43, %scan3A_44 : i32
      %scan3A_46 = arith.constant 1 : i32
      scf.for %scan3A_55 = %scan3A_43 to %scan3A_45 step %scan3A_46  : i32 {
        %mul3A_56 = arith.constant 32 : i32
        %mul3A_57 = arith.muli %scan3A_55, %mul3A_56 : i32
        %add3A_58 = arith.constant 0 : i32
        %add3A_59 = arith.addi %mul3A_57, %add3A_58 : i32
        %get3A = arith.index_cast %add3A_59 : i32 to index
        %get3A_60 = tpu.vector_load %arg7[%get3A] {strides = array<i32>} : memref<512xf32, #tpu.memory_space<vmem>>, vector<16xf32>,
        %get3A_61 = vector.shape_cast %get3A_60 : vector<16xf32> to vector<16xf32>
        %get3A_62 = arith.index_cast %add3A_59 : i32 to index
        %get3A_63 = tpu.vector_load %arg8[%get3A_62] {strides = array<i32>} : memref<512xf32, #tpu.memory_space<vmem>>, vector<16xf32>,
        %get3A_64 = vector.shape_cast %get3A_63 : vector<16xf32> to vector<16xf32>
        %get3A_65 = arith.index_cast %add3A_59 : i32 to index
        %get3A_66 = tpu.vector_load %arg9[%get3A_65] {strides = array<i32>} : memref<512xi32, #tpu.memory_space<vmem>>, vector<16xi32>,
        %get3A_67 = vector.shape_cast %get3A_66 : vector<16xi32> to vector<16xi32>
        %add3A_68 = vector.broadcast %mul3A_39 : f32 to vector<16xf32>
        %add3A_69 = arith.addf %get3A_61, %add3A_68 : vector<16xf32>
        %mul3A_70 = arith.constant 85.3333359 : f32
        %mul3A_71 = vector.broadcast %mul3A_70 : f32 to vector<16xf32>
        %mul3A_72 = arith.mulf %add3A_69, %mul3A_71 : vector<16xf32>
        %add3A_73 = vector.broadcast %mul3A_39 : f32 to vector<16xf32>
        %add3A_74 = arith.addf %get3A_64, %add3A_73 : vector<16xf32>
        %mul3A_75 = arith.constant 85.3333359 : f32
        %mul3A_76 = vector.broadcast %mul3A_75 : f32 to vector<16xf32>
        %mul3A_77 = arith.mulf %add3A_74, %mul3A_76 : vector<16xf32>
        %convert_element_type3A_78 = arith.fptosi %mul3A_72 : vector<16xf32> to vector<16xi32>
        %jit3A = arith.constant 0 : i32
        %jit3A_79 = arith.constant 511 : i32
        %max3A = vector.broadcast %jit3A : i32 to vector<16xi32>
        %max3A_80 = arith.maxsi %max3A, %convert_element_type3A_78 : vector<16xi32>
        %min3A = vector.broadcast %jit3A_79 : i32 to vector<16xi32>
        %min3A_81 = arith.minsi %min3A, %max3A_80 : vector<16xi32>
        %convert_element_type3A_82 = arith.fptosi %mul3A_77 : vector<16xf32> to vector<16xi32>
        %jit3A_83 = arith.constant 0 : i32
        %jit3A_84 = arith.constant 511 : i32
        %max3A_85 = vector.broadcast %jit3A_83 : i32 to vector<16xi32>
        %max3A_86 = arith.maxsi %max3A_85, %convert_element_type3A_82 : vector<16xi32>
        %min3A_87 = vector.broadcast %jit3A_84 : i32 to vector<16xi32>
        %min3A_88 = arith.minsi %min3A_87, %max3A_86 : vector<16xi32>
        %add3A_89 = vector.broadcast %mul3A_41 : i32 to vector<16xi32>
        %add3A_90 = arith.addi %get3A_67, %add3A_89 : vector<16xi32>
        %shift_right_arithmetic3A = arith.constant 3 : i32
        %shift_right_arithmetic3A_91 = vector.broadcast %shift_right_arithmetic3A : i32 to vector<16xi32>
        %shift_right_arithmetic3A_92 = arith.shrsi %min3A_81, %shift_right_arithmetic3A_91 : vector<16xi32>
        %mul3A_93 = arith.constant 4096 : i32
        %mul3A_94 = vector.broadcast %mul3A_93 : i32 to vector<16xi32>
        %mul3A_95 = arith.muli %shift_right_arithmetic3A_92, %mul3A_94 : vector<16xi32>
        %add3A_96 = arith.addi %add3A_90, %mul3A_95 : vector<16xi32>
        %shift_right_arithmetic3A_97 = arith.constant 7 : i32
        %shift_right_arithmetic3A_98 = vector.broadcast %shift_right_arithmetic3A_97 : i32 to vector<16xi32>
        %shift_right_arithmetic3A_99 = arith.shrsi %min3A_88, %shift_right_arithmetic3A_98 : vector<16xi32>
        %mul3A_100 = arith.constant 1024 : i32
        %mul3A_101 = vector.broadcast %mul3A_100 : i32 to vector<16xi32>
        %mul3A_102 = arith.muli %shift_right_arithmetic3A_99, %mul3A_101 : vector<16xi32>
        %add3A_103 = arith.addi %add3A_96, %mul3A_102 : vector<16xi32>
        %and3A = arith.constant 7 : i32
        %and3A_104 = vector.broadcast %and3A : i32 to vector<16xi32>
        %and3A_105 = arith.andi %min3A_81, %and3A_104 : vector<16xi32>
        %mul3A_106 = arith.constant 128 : i32
        %mul3A_107 = vector.broadcast %mul3A_106 : i32 to vector<16xi32>
        %mul3A_108 = arith.muli %and3A_105, %mul3A_107 : vector<16xi32>
        %add3A_109 = arith.addi %add3A_103, %mul3A_108 : vector<16xi32>
        %and3A_110 = arith.constant 127 : i32
        %and3A_111 = vector.broadcast %and3A_110 : i32 to vector<16xi32>
        %and3A_112 = arith.andi %min3A_88, %and3A_111 : vector<16xi32>
        %add3A_113 = arith.addi %add3A_109, %and3A_112 : vector<16xi32>
        %add3A_114 = arith.addi %mul3A_37, %add3A_59 : i32
        %swap3A = arith.index_cast %add3A_114 : i32 to index
        %swap3A_115 = tpu.vector_load %arg10[%swap3A] {strides = array<i32>} : memref<8192xi32, #tpu.memory_space<vmem>>, vector<16xi32>,
        %swap3A_116 = vector.shape_cast %swap3A_115 : vector<16xi32> to vector<16xi32>
        %swap3A_117 = vector.shape_cast %add3A_113 : vector<16xi32> to vector<16xi32>
        tpu.vector_store %arg10[%swap3A], %swap3A_117 {strides = array<i32>} : memref<8192xi32, #tpu.memory_space<vmem>>, vector<16xi32>,
        %mul3A_118 = arith.constant 32 : i32
        %mul3A_119 = arith.muli %scan3A_55, %mul3A_118 : i32
        %add3A_120 = arith.constant 16 : i32
        %add3A_121 = arith.addi %mul3A_119, %add3A_120 : i32
        %get3A_122 = arith.index_cast %add3A_121 : i32 to index
        %get3A_123 = tpu.vector_load %arg7[%get3A_122] {strides = array<i32>} : memref<512xf32, #tpu.memory_space<vmem>>, vector<16xf32>,
        %get3A_124 = vector.shape_cast %get3A_123 : vector<16xf32> to vector<16xf32>
        %get3A_125 = arith.index_cast %add3A_121 : i32 to index
        %get3A_126 = tpu.vector_load %arg8[%get3A_125] {strides = array<i32>} : memref<512xf32, #tpu.memory_space<vmem>>, vector<16xf32>,
        %get3A_127 = vector.shape_cast %get3A_126 : vector<16xf32> to vector<16xf32>
        %get3A_128 = arith.index_cast %add3A_121 : i32 to index
        %get3A_129 = tpu.vector_load %arg9[%get3A_128] {strides = array<i32>} : memref<512xi32, #tpu.memory_space<vmem>>, vector<16xi32>,
        %get3A_130 = vector.shape_cast %get3A_129 : vector<16xi32> to vector<16xi32>
        %add3A_131 = vector.broadcast %mul3A_39 : f32 to vector<16xf32>
        %add3A_132 = arith.addf %get3A_124, %add3A_131 : vector<16xf32>
        %mul3A_133 = arith.constant 85.3333359 : f32
        %mul3A_134 = vector.broadcast %mul3A_133 : f32 to vector<16xf32>
        %mul3A_135 = arith.mulf %add3A_132, %mul3A_134 : vector<16xf32>
        %add3A_136 = vector.broadcast %mul3A_39 : f32 to vector<16xf32>
        %add3A_137 = arith.addf %get3A_127, %add3A_136 : vector<16xf32>
        %mul3A_138 = arith.constant 85.3333359 : f32
        %mul3A_139 = vector.broadcast %mul3A_138 : f32 to vector<16xf32>
        %mul3A_140 = arith.mulf %add3A_137, %mul3A_139 : vector<16xf32>
        %convert_element_type3A_141 = arith.fptosi %mul3A_135 : vector<16xf32> to vector<16xi32>
        %jit3A_142 = arith.constant 0 : i32
        %jit3A_143 = arith.constant 511 : i32
        %max3A_144 = vector.broadcast %jit3A_142 : i32 to vector<16xi32>
        %max3A_145 = arith.maxsi %max3A_144, %convert_element_type3A_141 : vector<16xi32>
        %min3A_146 = vector.broadcast %jit3A_143 : i32 to vector<16xi32>
        %min3A_147 = arith.minsi %min3A_146, %max3A_145 : vector<16xi32>
        %convert_element_type3A_148 = arith.fptosi %mul3A_140 : vector<16xf32> to vector<16xi32>
        %jit3A_149 = arith.constant 0 : i32
        %jit3A_150 = arith.constant 511 : i32
        %max3A_151 = vector.broadcast %jit3A_149 : i32 to vector<16xi32>
        %max3A_152 = arith.maxsi %max3A_151, %convert_element_type3A_148 : vector<16xi32>
        %min3A_153 = vector.broadcast %jit3A_150 : i32 to vector<16xi32>
        %min3A_154 = arith.minsi %min3A_153, %max3A_152 : vector<16xi32>
        %add3A_155 = vector.broadcast %mul3A_41 : i32 to vector<16xi32>
        %add3A_156 = arith.addi %get3A_130, %add3A_155 : vector<16xi32>
        %shift_right_arithmetic3A_157 = arith.constant 3 : i32
        %shift_right_arithmetic3A_158 = vector.broadcast %shift_right_arithmetic3A_157 : i32 to vector<16xi32>
        %shift_right_arithmetic3A_159 = arith.shrsi %min3A_147, %shift_right_arithmetic3A_158 : vector<16xi32>
        %mul3A_160 = arith.constant 4096 : i32
        %mul3A_161 = vector.broadcast %mul3A_160 : i32 to vector<16xi32>
        %mul3A_162 = arith.muli %shift_right_arithmetic3A_159, %mul3A_161 : vector<16xi32>
        %add3A_163 = arith.addi %add3A_156, %mul3A_162 : vector<16xi32>
        %shift_right_arithmetic3A_164 = arith.constant 7 : i32
        %shift_right_arithmetic3A_165 = vector.broadcast %shift_right_arithmetic3A_164 : i32 to vector<16xi32>
        %shift_right_arithmetic3A_166 = arith.shrsi %min3A_154, %shift_right_arithmetic3A_165 : vector<16xi32>
        %mul3A_167 = arith.constant 1024 : i32
        %mul3A_168 = vector.broadcast %mul3A_167 : i32 to vector<16xi32>
        %mul3A_169 = arith.muli %shift_right_arithmetic3A_166, %mul3A_168 : vector<16xi32>
        %add3A_170 = arith.addi %add3A_163, %mul3A_169 : vector<16xi32>
        %and3A_171 = arith.constant 7 : i32
        %and3A_172 = vector.broadcast %and3A_171 : i32 to vector<16xi32>
        %and3A_173 = arith.andi %min3A_147, %and3A_172 : vector<16xi32>
        %mul3A_174 = arith.constant 128 : i32
        %mul3A_175 = vector.broadcast %mul3A_174 : i32 to vector<16xi32>
        %mul3A_176 = arith.muli %and3A_173, %mul3A_175 : vector<16xi32>
        %add3A_177 = arith.addi %add3A_170, %mul3A_176 : vector<16xi32>
        %and3A_178 = arith.constant 127 : i32
        %and3A_179 = vector.broadcast %and3A_178 : i32 to vector<16xi32>
        %and3A_180 = arith.andi %min3A_154, %and3A_179 : vector<16xi32>
        %add3A_181 = arith.addi %add3A_177, %and3A_180 : vector<16xi32>
        %add3A_182 = arith.addi %mul3A_37, %add3A_121 : i32
        %swap3A_183 = arith.index_cast %add3A_182 : i32 to index
        %swap3A_184 = tpu.vector_load %arg10[%swap3A_183] {strides = array<i32>} : memref<8192xi32, #tpu.memory_space<vmem>>, vector<16xi32>,
        %swap3A_185 = vector.shape_cast %swap3A_184 : vector<16xi32> to vector<16xi32>
        %swap3A_186 = vector.shape_cast %add3A_181 : vector<16xi32> to vector<16xi32>
        tpu.vector_store %arg10[%swap3A_183], %swap3A_186 {strides = array<i32>} : memref<8192xi32, #tpu.memory_space<vmem>>, vector<16xi32>,
      }
      %scan3A_47 = arith.constant 16 : i32
      %dma_start3A = tpu.memref_slice %arg11[%mul3A_37] : memref<8192xf32, #tpu.memory_space<vmem>> -> memref<512xf32, #tpu.memory_space<vmem>>
      %dma_start3A_48 = tpu.memref_slice %arg10[%mul3A_37] : memref<8192xi32, #tpu.memory_space<vmem>> -> memref<512xi32, #tpu.memory_space<vmem>>
      %dma_start3A_49 = arith.constant 0 : i32
      %dma_start3A_50 = tpu.memref_slice %arg3[%dma_start3A_49] : memref<12582912xf32, #tpu.memory_space<hbm>> -> memref<12582912xf32, #tpu.memory_space<hbm>>
      tpu.enqueue_indirect_dma source(%dma_start3A_50 : memref<12582912xf32, #tpu.memory_space<hbm>>) target(%dma_start3A : memref<512xf32, #tpu.memory_space<vmem>>) offsets(%dma_start3A_48 : memref<512xi32, #tpu.memory_space<vmem>>) semaphore(%arg15 : memref<!tpu.dma_semaphore, #tpu.memory_space<semaphore_mem>>)
      %dma_start3A_51 = tpu.memref_slice %arg12[%mul3A_37] : memref<8192xf32, #tpu.memory_space<vmem>> -> memref<512xf32, #tpu.memory_space<vmem>>
      %dma_start3A_52 = tpu.memref_slice %arg10[%mul3A_37] : memref<8192xi32, #tpu.memory_space<vmem>> -> memref<512xi32, #tpu.memory_space<vmem>>
      %dma_start3A_53 = arith.constant 0 : i32
      %dma_start3A_54 = tpu.memref_slice %arg4[%dma_start3A_53] : memref<12582912xf32, #tpu.memory_space<hbm>> -> memref<12582912xf32, #tpu.memory_space<hbm>>
      tpu.enqueue_indirect_dma source(%dma_start3A_54 : memref<12582912xf32, #tpu.memory_space<hbm>>) target(%dma_start3A_51 : memref<512xf32, #tpu.memory_space<vmem>>) offsets(%dma_start3A_52 : memref<512xi32, #tpu.memory_space<vmem>>) semaphore(%arg15 : memref<!tpu.dma_semaphore, #tpu.memory_space<semaphore_mem>>)
    }
    %scan3A_21 = arith.constant 16 : i32
    %scan3A_22 = arith.constant 0 : i32
    %scan3A_23 = arith.constant 0 : i32
    %scan3A_24 = arith.constant 16 : i32
    %scan3A_25 = arith.addi %scan3A_23, %scan3A_24 : i32
    %scan3A_26 = arith.constant 1 : i32
    scf.for %scan3A_35 = %scan3A_23 to %scan3A_25 step %scan3A_26  : i32 {
      %mul3A_36 = arith.constant 512 : i32
      %mul3A_37 = arith.muli %scan3A_35, %mul3A_36 : i32
      %dma_wait3A = tpu.memref_slice %arg11[%mul3A_37] : memref<8192xf32, #tpu.memory_space<vmem>> -> memref<512xf32, #tpu.memory_space<vmem>>
      %dma_wait3A_38 = tpu.memref_slice %arg10[%mul3A_37] : memref<8192xi32, #tpu.memory_space<vmem>> -> memref<512xi32, #tpu.memory_space<vmem>>
      %dma_wait3A_39 = arith.constant 0 : i32
      %dma_wait3A_40 = tpu.memref_slice %arg3[%dma_wait3A_39] : memref<12582912xf32, #tpu.memory_space<hbm>> -> memref<12582912xf32, #tpu.memory_space<hbm>>
      tpu.wait_indirect_dma semaphore(%arg15 : memref<!tpu.dma_semaphore, #tpu.memory_space<semaphore_mem>>) src(%dma_wait3A_40 : memref<12582912xf32, #tpu.memory_space<hbm>>) dst(%dma_wait3A : memref<512xf32, #tpu.memory_space<vmem>>)
      %dma_wait3A_41 = tpu.memref_slice %arg12[%mul3A_37] : memref<8192xf32, #tpu.memory_space<vmem>> -> memref<512xf32, #tpu.memory_space<vmem>>
      %dma_wait3A_42 = tpu.memref_slice %arg10[%mul3A_37] : memref<8192xi32, #tpu.memory_space<vmem>> -> memref<512xi32, #tpu.memory_space<vmem>>
      %dma_wait3A_43 = arith.constant 0 : i32
      %dma_wait3A_44 = tpu.memref_slice %arg4[%dma_wait3A_43] : memref<12582912xf32, #tpu.memory_space<hbm>> -> memref<12582912xf32, #tpu.memory_space<hbm>>
      tpu.wait_indirect_dma semaphore(%arg15 : memref<!tpu.dma_semaphore, #tpu.memory_space<semaphore_mem>>) src(%dma_wait3A_44 : memref<12582912xf32, #tpu.memory_space<hbm>>) dst(%dma_wait3A_41 : memref<512xf32, #tpu.memory_space<vmem>>)
    }
    %scan3A_27 = arith.constant 16 : i32
    %scan3A_28 = arith.constant 0 : i32
    %scan3A_29 = arith.constant 0 : i32
    %scan3A_30 = arith.constant 32 : i32
    %scan3A_31 = arith.addi %scan3A_29, %scan3A_30 : i32
    %scan3A_32 = arith.constant 1 : i32
    scf.for %scan3A_35 = %scan3A_29 to %scan3A_31 step %scan3A_32  : i32 {
      %mul3A_36 = arith.constant 16 : i32
      %mul3A_37 = arith.muli %scan3A_35, %mul3A_36 : i32
      %get3A = arith.index_cast %mul3A_37 : i32 to index
      %get3A_38 = tpu.vector_load %arg11[%get3A] {strides = array<i32>} : memref<8192xf32, #tpu.memory_space<vmem>>, vector<16xf32>,
      %get3A_39 = vector.shape_cast %get3A_38 : vector<16xf32> to vector<16xf32>
      %get3A_40 = arith.index_cast %mul3A_37 : i32 to index
      %get3A_41 = tpu.vector_load %arg12[%get3A_40] {strides = array<i32>} : memref<8192xf32, #tpu.memory_space<vmem>>, vector<16xf32>,
      %get3A_42 = vector.shape_cast %get3A_41 : vector<16xf32> to vector<16xf32>
      %add3A_43 = arith.constant 512 : i32
      %add3A_44 = arith.addi %add3A_43, %mul3A_37 : i32
      %get3A_45 = arith.index_cast %add3A_44 : i32 to index
      %get3A_46 = tpu.vector_load %arg11[%get3A_45] {strides = array<i32>} : memref<8192xf32, #tpu.memory_space<vmem>>, vector<16xf32>,
      %get3A_47 = vector.shape_cast %get3A_46 : vector<16xf32> to vector<16xf32>
      %add3A_48 = arith.addf %get3A_39, %get3A_47 : vector<16xf32>
      %get3A_49 = arith.index_cast %add3A_44 : i32 to index
      %get3A_50 = tpu.vector_load %arg12[%get3A_49] {strides = array<i32>} : memref<8192xf32, #tpu.memory_space<vmem>>, vector<16xf32>,
      %get3A_51 = vector.shape_cast %get3A_50 : vector<16xf32> to vector<16xf32>
      %add3A_52 = arith.addf %get3A_42, %get3A_51 : vector<16xf32>
      %add3A_53 = arith.constant 1024 : i32
      %add3A_54 = arith.addi %add3A_53, %mul3A_37 : i32
      %get3A_55 = arith.index_cast %add3A_54 : i32 to index
      %get3A_56 = tpu.vector_load %arg11[%get3A_55] {strides = array<i32>} : memref<8192xf32, #tpu.memory_space<vmem>>, vector<16xf32>,
      %get3A_57 = vector.shape_cast %get3A_56 : vector<16xf32> to vector<16xf32>
      %add3A_58 = arith.addf %add3A_48, %get3A_57 : vector<16xf32>
      %get3A_59 = arith.index_cast %add3A_54 : i32 to index
      %get3A_60 = tpu.vector_load %arg12[%get3A_59] {strides = array<i32>} : memref<8192xf32, #tpu.memory_space<vmem>>, vector<16xf32>,
      %get3A_61 = vector.shape_cast %get3A_60 : vector<16xf32> to vector<16xf32>
      %add3A_62 = arith.addf %add3A_52, %get3A_61 : vector<16xf32>
      %add3A_63 = arith.constant 1536 : i32
      %add3A_64 = arith.addi %add3A_63, %mul3A_37 : i32
      %get3A_65 = arith.index_cast %add3A_64 : i32 to index
      %get3A_66 = tpu.vector_load %arg11[%get3A_65] {strides = array<i32>} : memref<8192xf32, #tpu.memory_space<vmem>>, vector<16xf32>,
      %get3A_67 = vector.shape_cast %get3A_66 : vector<16xf32> to vector<16xf32>
      %add3A_68 = arith.addf %add3A_58, %get3A_67 : vector<16xf32>
      %get3A_69 = arith.index_cast %add3A_64 : i32 to index
      %get3A_70 = tpu.vector_load %arg12[%get3A_69] {strides = array<i32>} : memref<8192xf32, #tpu.memory_space<vmem>>, vector<16xf32>,
      %get3A_71 = vector.shape_cast %get3A_70 : vector<16xf32> to vector<16xf32>
      %add3A_72 = arith.addf %add3A_62, %get3A_71 : vector<16xf32>
      %add3A_73 = arith.constant 2048 : i32
      %add3A_74 = arith.addi %add3A_73, %mul3A_37 : i32
      %get3A_75 = arith.index_cast %add3A_74 : i32 to index
      %get3A_76 = tpu.vector_load %arg11[%get3A_75] {strides = array<i32>} : memref<8192xf32, #tpu.memory_space<vmem>>, vector<16xf32>,
      %get3A_77 = vector.shape_cast %get3A_76 : vector<16xf32> to vector<16xf32>
      %add3A_78 = arith.addf %add3A_68, %get3A_77 : vector<16xf32>
      %get3A_79 = arith.index_cast %add3A_74 : i32 to index
      %get3A_80 = tpu.vector_load %arg12[%get3A_79] {strides = array<i32>} : memref<8192xf32, #tpu.memory_space<vmem>>, vector<16xf32>,
      %get3A_81 = vector.shape_cast %get3A_80 : vector<16xf32> to vector<16xf32>
      %add3A_82 = arith.addf %add3A_72, %get3A_81 : vector<16xf32>
      %add3A_83 = arith.constant 2560 : i32
      %add3A_84 = arith.addi %add3A_83, %mul3A_37 : i32
      %get3A_85 = arith.index_cast %add3A_84 : i32 to index
      %get3A_86 = tpu.vector_load %arg11[%get3A_85] {strides = array<i32>} : memref<8192xf32, #tpu.memory_space<vmem>>, vector<16xf32>,
      %get3A_87 = vector.shape_cast %get3A_86 : vector<16xf32> to vector<16xf32>
      %add3A_88 = arith.addf %add3A_78, %get3A_87 : vector<16xf32>
      %get3A_89 = arith.index_cast %add3A_84 : i32 to index
      %get3A_90 = tpu.vector_load %arg12[%get3A_89] {strides = array<i32>} : memref<8192xf32, #tpu.memory_space<vmem>>, vector<16xf32>,
      %get3A_91 = vector.shape_cast %get3A_90 : vector<16xf32> to vector<16xf32>
      %add3A_92 = arith.addf %add3A_82, %get3A_91 : vector<16xf32>
      %add3A_93 = arith.constant 3072 : i32
      %add3A_94 = arith.addi %add3A_93, %mul3A_37 : i32
      %get3A_95 = arith.index_cast %add3A_94 : i32 to index
      %get3A_96 = tpu.vector_load %arg11[%get3A_95] {strides = array<i32>} : memref<8192xf32, #tpu.memory_space<vmem>>, vector<16xf32>,
      %get3A_97 = vector.shape_cast %get3A_96 : vector<16xf32> to vector<16xf32>
      %add3A_98 = arith.addf %add3A_88, %get3A_97 : vector<16xf32>
      %get3A_99 = arith.index_cast %add3A_94 : i32 to index
      %get3A_100 = tpu.vector_load %arg12[%get3A_99] {strides = array<i32>} : memref<8192xf32, #tpu.memory_space<vmem>>, vector<16xf32>,
      %get3A_101 = vector.shape_cast %get3A_100 : vector<16xf32> to vector<16xf32>
      %add3A_102 = arith.addf %add3A_92, %get3A_101 : vector<16xf32>
      %add3A_103 = arith.constant 3584 : i32
      %add3A_104 = arith.addi %add3A_103, %mul3A_37 : i32
      %get3A_105 = arith.index_cast %add3A_104 : i32 to index
      %get3A_106 = tpu.vector_load %arg11[%get3A_105] {strides = array<i32>} : memref<8192xf32, #tpu.memory_space<vmem>>, vector<16xf32>,
      %get3A_107 = vector.shape_cast %get3A_106 : vector<16xf32> to vector<16xf32>
      %add3A_108 = arith.addf %add3A_98, %get3A_107 : vector<16xf32>
      %get3A_109 = arith.index_cast %add3A_104 : i32 to index
      %get3A_110 = tpu.vector_load %arg12[%get3A_109] {strides = array<i32>} : memref<8192xf32, #tpu.memory_space<vmem>>, vector<16xf32>,
      %get3A_111 = vector.shape_cast %get3A_110 : vector<16xf32> to vector<16xf32>
      %add3A_112 = arith.addf %add3A_102, %get3A_111 : vector<16xf32>
      %add3A_113 = arith.constant 4096 : i32
      %add3A_114 = arith.addi %add3A_113, %mul3A_37 : i32
      %get3A_115 = arith.index_cast %add3A_114 : i32 to index
      %get3A_116 = tpu.vector_load %arg11[%get3A_115] {strides = array<i32>} : memref<8192xf32, #tpu.memory_space<vmem>>, vector<16xf32>,
      %get3A_117 = vector.shape_cast %get3A_116 : vector<16xf32> to vector<16xf32>
      %add3A_118 = arith.addf %add3A_108, %get3A_117 : vector<16xf32>
      %get3A_119 = arith.index_cast %add3A_114 : i32 to index
      %get3A_120 = tpu.vector_load %arg12[%get3A_119] {strides = array<i32>} : memref<8192xf32, #tpu.memory_space<vmem>>, vector<16xf32>,
      %get3A_121 = vector.shape_cast %get3A_120 : vector<16xf32> to vector<16xf32>
      %add3A_122 = arith.addf %add3A_112, %get3A_121 : vector<16xf32>
      %add3A_123 = arith.constant 4608 : i32
      %add3A_124 = arith.addi %add3A_123, %mul3A_37 : i32
      %get3A_125 = arith.index_cast %add3A_124 : i32 to index
      %get3A_126 = tpu.vector_load %arg11[%get3A_125] {strides = array<i32>} : memref<8192xf32, #tpu.memory_space<vmem>>, vector<16xf32>,
      %get3A_127 = vector.shape_cast %get3A_126 : vector<16xf32> to vector<16xf32>
      %add3A_128 = arith.addf %add3A_118, %get3A_127 : vector<16xf32>
      %get3A_129 = arith.index_cast %add3A_124 : i32 to index
      %get3A_130 = tpu.vector_load %arg12[%get3A_129] {strides = array<i32>} : memref<8192xf32, #tpu.memory_space<vmem>>, vector<16xf32>,
      %get3A_131 = vector.shape_cast %get3A_130 : vector<16xf32> to vector<16xf32>
      %add3A_132 = arith.addf %add3A_122, %get3A_131 : vector<16xf32>
      %add3A_133 = arith.constant 5120 : i32
      %add3A_134 = arith.addi %add3A_133, %mul3A_37 : i32
      %get3A_135 = arith.index_cast %add3A_134 : i32 to index
      %get3A_136 = tpu.vector_load %arg11[%get3A_135] {strides = array<i32>} : memref<8192xf32, #tpu.memory_space<vmem>>, vector<16xf32>,
      %get3A_137 = vector.shape_cast %get3A_136 : vector<16xf32> to vector<16xf32>
      %add3A_138 = arith.addf %add3A_128, %get3A_137 : vector<16xf32>
      %get3A_139 = arith.index_cast %add3A_134 : i32 to index
      %get3A_140 = tpu.vector_load %arg12[%get3A_139] {strides = array<i32>} : memref<8192xf32, #tpu.memory_space<vmem>>, vector<16xf32>,
      %get3A_141 = vector.shape_cast %get3A_140 : vector<16xf32> to vector<16xf32>
      %add3A_142 = arith.addf %add3A_132, %get3A_141 : vector<16xf32>
      %add3A_143 = arith.constant 5632 : i32
      %add3A_144 = arith.addi %add3A_143, %mul3A_37 : i32
      %get3A_145 = arith.index_cast %add3A_144 : i32 to index
      %get3A_146 = tpu.vector_load %arg11[%get3A_145] {strides = array<i32>} : memref<8192xf32, #tpu.memory_space<vmem>>, vector<16xf32>,
      %get3A_147 = vector.shape_cast %get3A_146 : vector<16xf32> to vector<16xf32>
      %add3A_148 = arith.addf %add3A_138, %get3A_147 : vector<16xf32>
      %get3A_149 = arith.index_cast %add3A_144 : i32 to index
      %get3A_150 = tpu.vector_load %arg12[%get3A_149] {strides = array<i32>} : memref<8192xf32, #tpu.memory_space<vmem>>, vector<16xf32>,
      %get3A_151 = vector.shape_cast %get3A_150 : vector<16xf32> to vector<16xf32>
      %add3A_152 = arith.addf %add3A_142, %get3A_151 : vector<16xf32>
      %add3A_153 = arith.constant 6144 : i32
      %add3A_154 = arith.addi %add3A_153, %mul3A_37 : i32
      %get3A_155 = arith.index_cast %add3A_154 : i32 to index
      %get3A_156 = tpu.vector_load %arg11[%get3A_155] {strides = array<i32>} : memref<8192xf32, #tpu.memory_space<vmem>>, vector<16xf32>,
      %get3A_157 = vector.shape_cast %get3A_156 : vector<16xf32> to vector<16xf32>
      %add3A_158 = arith.addf %add3A_148, %get3A_157 : vector<16xf32>
      %get3A_159 = arith.index_cast %add3A_154 : i32 to index
      %get3A_160 = tpu.vector_load %arg12[%get3A_159] {strides = array<i32>} : memref<8192xf32, #tpu.memory_space<vmem>>, vector<16xf32>,
      %get3A_161 = vector.shape_cast %get3A_160 : vector<16xf32> to vector<16xf32>
      %add3A_162 = arith.addf %add3A_152, %get3A_161 : vector<16xf32>
      %add3A_163 = arith.constant 6656 : i32
      %add3A_164 = arith.addi %add3A_163, %mul3A_37 : i32
      %get3A_165 = arith.index_cast %add3A_164 : i32 to index
      %get3A_166 = tpu.vector_load %arg11[%get3A_165] {strides = array<i32>} : memref<8192xf32, #tpu.memory_space<vmem>>, vector<16xf32>,
      %get3A_167 = vector.shape_cast %get3A_166 : vector<16xf32> to vector<16xf32>
      %add3A_168 = arith.addf %add3A_158, %get3A_167 : vector<16xf32>
      %get3A_169 = arith.index_cast %add3A_164 : i32 to index
      %get3A_170 = tpu.vector_load %arg12[%get3A_169] {strides = array<i32>} : memref<8192xf32, #tpu.memory_space<vmem>>, vector<16xf32>,
      %get3A_171 = vector.shape_cast %get3A_170 : vector<16xf32> to vector<16xf32>
      %add3A_172 = arith.addf %add3A_162, %get3A_171 : vector<16xf32>
      %add3A_173 = arith.constant 7168 : i32
      %add3A_174 = arith.addi %add3A_173, %mul3A_37 : i32
      %get3A_175 = arith.index_cast %add3A_174 : i32 to index
      %get3A_176 = tpu.vector_load %arg11[%get3A_175] {strides = array<i32>} : memref<8192xf32, #tpu.memory_space<vmem>>, vector<16xf32>,
      %get3A_177 = vector.shape_cast %get3A_176 : vector<16xf32> to vector<16xf32>
      %add3A_178 = arith.addf %add3A_168, %get3A_177 : vector<16xf32>
      %get3A_179 = arith.index_cast %add3A_174 : i32 to index
      %get3A_180 = tpu.vector_load %arg12[%get3A_179] {strides = array<i32>} : memref<8192xf32, #tpu.memory_space<vmem>>, vector<16xf32>,
      %get3A_181 = vector.shape_cast %get3A_180 : vector<16xf32> to vector<16xf32>
      %add3A_182 = arith.addf %add3A_172, %get3A_181 : vector<16xf32>
      %add3A_183 = arith.constant 7680 : i32
      %add3A_184 = arith.addi %add3A_183, %mul3A_37 : i32
      %get3A_185 = arith.index_cast %add3A_184 : i32 to index
      %get3A_186 = tpu.vector_load %arg11[%get3A_185] {strides = array<i32>} : memref<8192xf32, #tpu.memory_space<vmem>>, vector<16xf32>,
      %get3A_187 = vector.shape_cast %get3A_186 : vector<16xf32> to vector<16xf32>
      %add3A_188 = arith.addf %add3A_178, %get3A_187 : vector<16xf32>
      %get3A_189 = arith.index_cast %add3A_184 : i32 to index
      %get3A_190 = tpu.vector_load %arg12[%get3A_189] {strides = array<i32>} : memref<8192xf32, #tpu.memory_space<vmem>>, vector<16xf32>,
      %get3A_191 = vector.shape_cast %get3A_190 : vector<16xf32> to vector<16xf32>
      %add3A_192 = arith.addf %add3A_182, %get3A_191 : vector<16xf32>
      %swap3A = arith.index_cast %mul3A_37 : i32 to index
      %swap3A_193 = tpu.vector_load %arg13[%swap3A] {strides = array<i32>} : memref<512xf32, #tpu.memory_space<vmem>>, vector<16xf32>,
      %swap3A_194 = vector.shape_cast %swap3A_193 : vector<16xf32> to vector<16xf32>
      %swap3A_195 = vector.shape_cast %add3A_188 : vector<16xf32> to vector<16xf32>
      tpu.vector_store %arg13[%swap3A], %swap3A_195 {strides = array<i32>} : memref<512xf32, #tpu.memory_space<vmem>>, vector<16xf32>,
      %swap3A_196 = arith.index_cast %mul3A_37 : i32 to index
      %swap3A_197 = tpu.vector_load %arg14[%swap3A_196] {strides = array<i32>} : memref<512xf32, #tpu.memory_space<vmem>>, vector<16xf32>,
      %swap3A_198 = vector.shape_cast %swap3A_197 : vector<16xf32> to vector<16xf32>
      %swap3A_199 = vector.shape_cast %add3A_192 : vector<16xf32> to vector<16xf32>
      tpu.vector_store %arg14[%swap3A_196], %swap3A_199 {strides = array<i32>} : memref<512xf32, #tpu.memory_space<vmem>>, vector<16xf32>,
    }
    %scan3A_33 = arith.constant 32 : i32
    %run_scoped3A = arith.constant 0 : i32
    "tpu.region"() ({
      %run_scoped3A_35 = tpu.sem_alloc : memref<!tpu.dma_semaphore, #tpu.memory_space<semaphore_mem>>
      %dma_start3A = tpu.memref_slice %arg5[%run_scoped3A, %mul3A_2] : memref<2x16384xf32, #tpu.memory_space<hbm>> -> memref<1x512xf32, #tpu.memory_space<hbm>>
      %dma_start3A_36 = tpu.memref_squeeze %dma_start3A : memref<1x512xf32, #tpu.memory_space<hbm>> -> memref<512xf32, #tpu.memory_space<hbm>>
      %dma_start3A_37 = tpu.memref_slice %arg5[%run_scoped3A, %mul3A_2] : memref<2x16384xf32, #tpu.memory_space<hbm>> -> memref<1x512xf32, #tpu.memory_space<hbm>>
      %dma_start3A_38 = tpu.memref_squeeze %dma_start3A_37 : memref<1x512xf32, #tpu.memory_space<hbm>> -> memref<512xf32, #tpu.memory_space<hbm>>
      tpu.enqueue_dma source(%arg13 : memref<512xf32, #tpu.memory_space<vmem>>) target(%dma_start3A_38 : memref<512xf32, #tpu.memory_space<hbm>>) target_semaphore(%run_scoped3A_35 : memref<!tpu.dma_semaphore, #tpu.memory_space<semaphore_mem>>)
      %dma_wait3A = tpu.memref_slice %arg5[%run_scoped3A, %mul3A_2] : memref<2x16384xf32, #tpu.memory_space<hbm>> -> memref<1x512xf32, #tpu.memory_space<hbm>>
      %dma_wait3A_39 = tpu.memref_squeeze %dma_wait3A : memref<1x512xf32, #tpu.memory_space<hbm>> -> memref<512xf32, #tpu.memory_space<hbm>>
      %dma_wait3A_40 = tpu.memref_slice %arg5[%run_scoped3A, %mul3A_2] : memref<2x16384xf32, #tpu.memory_space<hbm>> -> memref<1x512xf32, #tpu.memory_space<hbm>>
      %dma_wait3A_41 = tpu.memref_squeeze %dma_wait3A_40 : memref<1x512xf32, #tpu.memory_space<hbm>> -> memref<512xf32, #tpu.memory_space<hbm>>
      tpu.wait_dma2 semaphore(%run_scoped3A_35 : memref<!tpu.dma_semaphore, #tpu.memory_space<semaphore_mem>>) src(%arg13 : memref<512xf32, #tpu.memory_space<vmem>>) dst(%dma_wait3A_41 : memref<512xf32, #tpu.memory_space<hbm>>)
      tpu.yield
    }) : () -> ()
    %run_scoped3A_34 = arith.constant 1 : i32
    "tpu.region"() ({
      %run_scoped3A_35 = tpu.sem_alloc : memref<!tpu.dma_semaphore, #tpu.memory_space<semaphore_mem>>
      %dma_start3A = tpu.memref_slice %arg5[%run_scoped3A_34, %mul3A_2] : memref<2x16384xf32, #tpu.memory_space<hbm>> -> memref<1x512xf32, #tpu.memory_space<hbm>>
      %dma_start3A_36 = tpu.memref_squeeze %dma_start3A : memref<1x512xf32, #tpu.memory_space<hbm>> -> memref<512xf32, #tpu.memory_space<hbm>>
      %dma_start3A_37 = tpu.memref_slice %arg5[%run_scoped3A_34, %mul3A_2] : memref<2x16384xf32, #tpu.memory_space<hbm>> -> memref<1x512xf32, #tpu.memory_space<hbm>>
      %dma_start3A_38 = tpu.memref_squeeze %dma_start3A_37 : memref<1x512xf32, #tpu.memory_space<hbm>> -> memref<512xf32, #tpu.memory_space<hbm>>
      tpu.enqueue_dma source(%arg14 : memref<512xf32, #tpu.memory_space<vmem>>) target(%dma_start3A_38 : memref<512xf32, #tpu.memory_space<hbm>>) target_semaphore(%run_scoped3A_35 : memref<!tpu.dma_semaphore, #tpu.memory_space<semaphore_mem>>)
      %dma_wait3A = tpu.memref_slice %arg5[%run_scoped3A_34, %mul3A_2] : memref<2x16384xf32, #tpu.memory_space<hbm>> -> memref<1x512xf32, #tpu.memory_space<hbm>>
      %dma_wait3A_39 = tpu.memref_squeeze %dma_wait3A : memref<1x512xf32, #tpu.memory_space<hbm>> -> memref<512xf32, #tpu.memory_space<hbm>>
      %dma_wait3A_40 = tpu.memref_slice %arg5[%run_scoped3A_34, %mul3A_2] : memref<2x16384xf32, #tpu.memory_space<hbm>> -> memref<1x512xf32, #tpu.memory_space<hbm>>
      %dma_wait3A_41 = tpu.memref_squeeze %dma_wait3A_40 : memref<1x512xf32, #tpu.memory_space<hbm>> -> memref<512xf32, #tpu.memory_space<hbm>>
      tpu.wait_dma2 semaphore(%run_scoped3A_35 : memref<!tpu.dma_semaphore, #tpu.memory_space<semaphore_mem>>) src(%arg14 : memref<512xf32, #tpu.memory_space<vmem>>) dst(%dma_wait3A_41 : memref<512xf32, #tpu.memory_space<hbm>>)
      tpu.yield
    }) : () -> ()
    return
  }
}

</mosaic_0001>

<sc_bundles>
// kernel: kernel.3.cloned.1.call-start
scs
__scs_entry_jumppad:
0x0: {  	(pc) =	sbr.rel $0x88, $3  }
0x1: {  	(tag) =	ssettag $0x0;
	lr =	simm.s32 $0x1  }
0x2: {  	[smem:$0x3F9E] =	sst lr;
	_ =	strace $0xD0000000  }
0x3: {  	_ = 	snop  }
0x4: {  	_ = 	snop  }
0x5: {  	_ = 	snop  }
0x6: {  	_ = 	snop  }
0x7: {  	_ = 	snop  }
__scs_overlays_trampoline_lowered:
0x8: {  	[smem:$0x3FAD] =	sst s0  }
0x9: {  	[smem:$0x3FAE] =	sst s1  }
0xa: {  	[smem:$0x3FAF] =	sst s2  }
0xb: {  	[smem:$0x3FB0] =	sst s3  }
0xc: {  	[smem:$0x3FB1] =	sst s4  }
0xd: {  	[smem:$0x3FB2] =	sst s5  }
0xe: {  	[smem:$0x3FB3] =	sst s6  }
0xf: {  	[smem:$0x3FB4] =	sst s7  }
0x10: {  	[smem:$0x3FB5] =	sst s8  }
0x11: {  	[smem:$0x3FB6] =	sst s9;
	s0 =	simm.s32 @!p0 $0x0  }
0x12: {  	s1 =	sld [smem:$0x3F9C];
	s0 =	simm.s32 @p0 $0x1  }
0x13: {  	[smem:$0x3FB7] =	sst s0;
	s0 =	simm.s32 @!p1 $0x0  }
0x14: {  	s2 =	sld [smem:$0x3F9B];
	s0 =	simm.s32 @p1 $0x1  }
0x15: {  	[smem:$0x3FB8] =	sst s0;
	s0 =	simm.s32 @!p2 $0x0  }
0x16: {  	s3 =	sld [smem:$0x3FDB];
	s0 =	simm.s32 @p2 $0x1  }
0x17: {  	s4 =	simm.s32 $0x1BF5;
	[smem:$0x3FBA] =	sst s0  }
0x18: {  	s0 =	sld [smem:$0x3F9D];
	_ =	swait.ge [sflag:s4], $0x0  }
0x19: {  	s7 =	sld [smem:$0x3F9E]  }
0x1a: {  	s8 =	sadd.s32 $0xFFFFE003, lr  }
0x1b: {  	s9 =	sadd.s32 $0xFFFFFEF7, lr;
	s5 =	simm.s32 $0xFFFFFFFF;
	p2 =	slt.u32 s8, $0xFFFFF086  }
0x1c: {  	p1 =	slt.u32 s9, $0xF7A;
	s5 =	simm.s32 @!p2 $0x0  }
0x1d: {  	s5 =	simm.s32 @p1 $0x1;
	p0 =	seq.s32 s7, s2  }
0x1e: {  	s7 =	smul.u32 @!p0 $0xF7A, s2;
	p2 =	seq.s32 @!p0 s5, $0x0  }
0x1f: {  	s9 =	smul.u32 $0xF7A, s1;
	s8 =	simm.s32 @!p0 $0x1BF5;
	p2 =	por !p2, p0  }
0x20: {  	[sflag:s8] =	ssyncset.s32 @!p0 $0xFFFFF086;
	s6 =	sadd.s32 @!p0 s3, s7;
	s7 =	simm.s32 @!p0 $0x108  }
0x21: {  	s3 =	sadd.s32 s3, s9;
	s6 =	sadd.s32 @!p0 $0x88, s6;
	s7 =	simm.s32 @p2 $0x1082  }
0x22: {  	[simem:s7], [sflag:s8] =	dma.local @!p0 [hbm:s6], $0xF7A  }
0x23: {  	s9 =	sor.u32 $0xD0000000, s2;
	s6 =	simm.s32 $0x108;
	_ =	swait.ge @!p0 [sflag:s8], $0x0  }
0x24: {  	s3 =	sadd.s32 $0x88, s3;
	s6 =	simm.s32 @!p1 $0x1082;
	[sflag:s4] =	ssyncset.s32 $0xFFFFF086  }
0x25: {  	[simem:s6], [sflag:s4] =	dma.local [hbm:s3], $0xF7A  }
0x26: {  	[smem:$0x3F9E] =	sst s1;
	(tag) =	ssettag s2;
	_ =	strace s9  }
0x27: {  	s1 =	sld [smem:$0x3FAE]  }
0x28: {  	s2 =	sld [smem:$0x3FAF]  }
0x29: {  	s4 =	sld [smem:$0x3FB1]  }
0x2a: {  	p0 =	seq.s32 s5, $0x0;
	s5 =	sld [smem:$0x3FB2]  }
0x2b: {  	s6 =	sld [smem:$0x3FB3]  }
0x2c: {  	s7 =	sld [smem:$0x3FB4]  }
0x2d: {  	s3 =	simm.s32 $0x108;
	s8 =	sld [smem:$0x3FB5]  }
0x2e: {  	s3 =	simm.s32 @!p0 $0x1082;
	s9 =	sld [smem:$0x3FB6]  }
0x2f: {  	lr =	sadd.s32 s0, s3;
	s0 =	sld [smem:$0x3FAD]  }
0x30: {  	s3 =	sld [smem:$0x3FB0]  }
0x31: {  	[smem:$0x3FB9] =	sst s10  }
0x32: {  	s10 =	sld [smem:$0x3FB7];
	_ =	sdelay $0x3  }
0x33: {  	p0 =	seq.s32 s10, $0x1;
	s10 =	sld [smem:$0x3FB9];
	_ =	sdelay $0x3  }
0x34: {  	[smem:$0x3FB9] =	sst s10  }
0x35: {  	s10 =	sld [smem:$0x3FB8];
	_ =	sdelay $0x3  }
0x36: {  	p1 =	seq.s32 s10, $0x1;
	s10 =	sld [smem:$0x3FB9];
	_ =	sdelay $0x3  }
0x37: {  	[smem:$0x3FB9] =	sst s10  }
0x38: {  	s10 =	sld [smem:$0x3FBA]  }
0x39: {  	_ = 	snop;
	(pc) =	sbr.ind lr, $3  }
0x3a: {  	_ = 	snop  }
0x3b: {  	_ = 	snop  }
0x3c: {  	p2 =	seq.s32 s10, $0x1;
	s10 =	sld [smem:$0x3FB9]  }
0x3d: {  	_ =	shalt  }
0x3e: {  	_ =	shalt  }
0x3f: {  	_ =	shalt  }
0x40: {  	_ =	shalt  }
0x41: {  	_ =	shalt  }
0x42: {  	_ =	shalt  }
0x43: {  	_ =	shalt  }
0x44: {  	_ =	shalt  }
0x45: {  	_ =	shalt  }
0x46: {  	_ =	shalt  }
0x47: {  	_ =	shalt  }
0x48: {  	_ =	shalt  }
0x49: {  	_ =	shalt  }
0x4a: {  	_ =	shalt  }
0x4b: {  	_ =	shalt  }
0x4c: {  	_ =	shalt  }
0x4d: {  	_ =	shalt  }
0x4e: {  	_ =	shalt  }
0x4f: {  	_ =	shalt  }
0x50: {  	_ =	shalt  }
0x51: {  	_ =	shalt  }
0x52: {  	_ =	shalt  }
0x53: {  	_ =	shalt  }
0x54: {  	_ =	shalt  }
0x55: {  	_ =	shalt  }
0x56: {  	_ =	shalt  }
0x57: {  	_ =	shalt  }
0x58: {  	_ =	shalt  }
0x59: {  	_ =	shalt  }
0x5a: {  	_ =	shalt  }
0x5b: {  	_ =	shalt  }
0x5c: {  	_ =	shalt  }
0x5d: {  	_ =	shalt  }
0x5e: {  	_ =	shalt  }
0x5f: {  	_ =	shalt  }
0x60: {  	_ =	shalt  }
0x61: {  	_ =	shalt  }
0x62: {  	_ =	shalt  }
0x63: {  	_ =	shalt  }
0x64: {  	_ =	shalt  }
0x65: {  	_ =	shalt  }
0x66: {  	_ =	shalt  }
0x67: {  	_ =	shalt  }
0x68: {  	_ =	shalt  }
0x69: {  	_ =	shalt  }
0x6a: {  	_ =	shalt  }
0x6b: {  	_ =	shalt  }
0x6c: {  	_ =	shalt  }
0x6d: {  	_ =	shalt  }
0x6e: {  	_ =	shalt  }
0x6f: {  	_ =	shalt  }
0x70: {  	_ =	shalt  }
0x71: {  	_ =	shalt  }
0x72: {  	_ =	shalt  }
0x73: {  	_ =	shalt  }
0x74: {  	_ =	shalt  }
0x75: {  	_ =	shalt  }
0x76: {  	_ =	shalt  }
0x77: {  	_ =	shalt  }
0x78: {  	_ =	shalt  }
0x79: {  	_ =	shalt  }
0x7a: {  	_ =	shalt  }
0x7b: {  	_ =	shalt  }
0x7c: {  	_ =	shalt  }
0x7d: {  	_ =	shalt  }
0x7e: {  	_ =	shalt  }
0x7f: {  	_ =	shalt  }
0x80: {  	_ =	shalt  }
0x81: {  	_ =	shalt  }
0x82: {  	_ =	shalt  }
0x83: {  	_ =	shalt  }
0x84: {  	_ =	shalt  }
0x85: {  	_ =	shalt  }
0x86: {  	_ =	shalt  }
0x87: {  	_ =	shalt  }
.Lfunc_end0:
.L_simem_size_0:
called_computation_lowered:
.L_overlay_start_0:
0x88: {  	s2 =	sld [smem:$0x3FD9]  }
0x89: {  	s3 =	sld [smem:$0x3FFE];
	_ =	sdelay $0x1  }
0x8a: {  	s1 =	srdreg.scid  }
0x8b: {  	s0 =	sand.u32 $0x1, s1  }
0x8c: {  	s17 =	sshll.u32 s0, $0xA;
	s2 =	sadd.s32 s3, s2  }
0x8d: {  	s2 =	sadd.s32 s2, s17  }
0x8e: {  	[smem:$0x3FC5] =	sst s2  }
0x8f: {  	_ = 	snop  }
0x90: {  	s2 =	sld [smem:$0x3FC8]  }
0x91: {  	s18 =	sld [smem:$0x3FC7]  }
0x92: {  	s4 =	sld [smem:$0x3FD0];
	(tm) =	ssettm $0x1  }
0x93: {  	s5 =	sld [smem:$0x3FFB];
	_ =	sdelay $0x3  }
0x94: {  	_ =	strace s5  }
0x95: {  	s5 =	sld [smem:$0x3FFC];
	_ =	sdelay $0x3  }
0x96: {  	_ =	strace s5  }
0x97: {  	s5 =	sld [smem:$0x3FFD];
	_ =	sdelay $0x3  }
0x98: {  	_ =	strace s5  }
0x99: {  	_ =	strace $0x8FFFFFFF  }
0x9a: {  	s19 =	sld [smem:$0x3FDB];
	_ =	sdelay $0x1  }
0x9b: {  	s6 =	simm.s32 $_scs_section_size  }
0x9c: {  	s7 =	simm.s32 $_size__tile_overlayer_lowered;
	s8 =	simm.s32 $_tile_overlayer_lowered  }
0x9d: {  	s22 =	simm.s32 $0x1BFF;
	s21 =	sshll.u32 s8, $0x1;
	s5 =	sadd.s32 s6, s19  }
0x9e: {  	s9 =	simm.s32 $0x0;
	s20 =	sshll.u32 s7, $0x1;
	s7 =	sadd.s32 s21, s5  }
0x9f: {  	[timem:s9], [sflag:s22] =	dma.local [hbm:s7], s20  }
0xa0: {  	_ =	swait.ge [sflag:s22], s20  }
0xa1: {  	s6 =	ssub.s32 $0x0, s20;
	[sflag:s22] =	ssyncset.done $0x0  }
0xa2: {  	[sflag:s22] =	ssyncadd.s32 s6;
	_ =	sdelay $0x1  }
0xa3: {  	s23 =	simm.s32 $0x1B8B  }
0xa4: {  	_ =	swait.ge [sflag:s23], $0x1  }
0xa5: {  	[sflag:s23] =	ssyncset.done $0x0  }
0xa6: {  	s25 =	simm.s32 $0x1B8E;
	s24 =	sld [smem:$0x3FFE];
	[sflag:s23] =	ssyncadd.s32 $0xFFFFFFFF  }
0xa7: {  	s26 =	simm.s32 $execute0_lowered;
	[smem:$0x3FD2] =	sst s25  }
0xa8: {  	s7 =	sshll.u32 s26, $0x1;
	_ =	strace $0x80000046;
	[dreg:$0x1] =	wrdreg $0xFFFFFFFF  }
0xa9: {  	s28 =	simm.s32 $_size_execute0_lowered;
	s5 =	sadd.s32 s5, s7;
	[dreg:$0x0] =	wrdreg $0x0  }
0xaa: {  	s7 =	sshll.u32 s28, $0x1;
	[dreg:$0x2] =	wrdreg s5  }
0xab: {  	[dreg:$0x3] =	wrdreg s7  }
0xac: {  	[dreg:$0x4] =	wrdreg $0xC0  }
0xad: {  	_ =	task [dreg:s9], $0x5FFFF  }
0xae: {  	[dreg:$0x1] =	wrdreg $0xFFFFFFFF  }
0xaf: {  	[dreg:$0x0] =	wrdreg $0x60  }
0xb0: {  	[dreg:$0x2] =	wrdreg s24  }
0xb1: {  	[dreg:$0x3] =	wrdreg s2  }
0xb2: {  	[dreg:$0x4] =	wrdreg s18  }
0xb3: {  	[dreg:$0x5] =	wrdreg s4  }
0xb4: {  	[dreg:$0x6] =	wrdreg $0x9  }
0xb5: {  	_ =	task.clear_ibuf [dreg:s9], $0x7FFFF;
	_ =	strace $0x90000046  }
0xb6: {  	s29 =	simm.s32 $0x9;
	_ =	strace $0x80000048  }
0xb7: {  	_ =	swait.ge [sflag:s29], $0x1  }
0xb8: {  	[sflag:s29] =	ssyncadd.s32 $0xFFFFFFFF  }
0xb9: {  	_ =	strace $0x90000048  }
0xba: {  	_ =	sfence  }
0xbb: {  	s30 =	sld [smem:$0x0];
	_ =	sdelay $0x2  }
0xbc: {  	s31 =	sshll.u32 s1, $0xD;
	s1 =	sshrl.u32 s1, $0x2  }
0xbd: {  	s3 =	sand.u32 $0x4000, s31;
	s1 =	sadd.s32 s1, s30  }
0xbe: {  	s0 =	sor.u32 s3, s0;
	s1 =	sshll.u32 s1, $0x11  }
0xbf: {  	s0 =	sor.u32 s1, s0  }
0xc0: {  	s0 =	sadd.s32 $0x8F2B, s0  }
0xc1: {  	[sflag:s0] =	ssyncadd.remote.s32 $0x1  }
0xc2: {  	_ =	sfence.sel $0xFFFF  }
0xc3: {  	[dreg:$0x0] =	wrdreg $0xFFFFFFFF;
	(pc) =	sbr.abs _section_cstart, $3  }
0xc4: {  	[dreg:$0x1] =	wrdreg $0xFFFFFFFF  }
0xc5: {  	_ =	task.clear_ibuf [dreg:s9], $0x2FFFF;
	_ =	strace $0x9FFFFFFF  }
0xc6: {  	(tm) =	ssettm $0x7FFFFFFF  }
0xc7: {  	_ =	shalt  }
tec
execute0_lowered:
.L_overlay_start_1:
0x0: {  	(tag) =	ssettag $0x1  }
0x1: {  	s5 =	rddreg [dreg:$0x0]  }
0x2: {  	s2 =	rddreg [dreg:$0x1]  }
0x3: {  	s3 =	rddreg [dreg:$0x2];
	s0 =	srdreg.scid  }
0x4: {  	s9 =	rddreg [dreg:$0x3];
	s1 =	stileid.u32  }
0x5: {  	s4 =	simm.s32 $0x0;
	s12 =	simm.s32 $0x2;
	s13 =	simm.s32 $0x200  }
0x6: {  	s14 =	simm.s32 $0x400;
	s15 =	simm.s32 $0x600;
	s16 =	simm.s32 $0x1  }
0x7: {  	s17 =	simm.s32 $0x80;
	s18 =	simm.s32 $0x100;
	s19 =	simm.s32 $0x6E00  }
0x8: {  	s20 =	simm.s32 $0x7000;
	s21 =	simm.s32 $0x0;
	s6 =	sand.u32 $0x1, s0  }
0x9: {  	s7 =	sshll.u32 s1, $0xA;
	[smem:$0x7FF] =	sst s4;
	s8 =	sshll.u32 s6, $0x9  }
0xa: {  	s6 =	ssub.s32 $0x2, s6;
	_ =	strace $0x80000047;
	s7 =	sor.u32 s8, s7  }
0xb: {  	s10 =	sshrl.u32 s6, $0x1;
	s8 =	sshrl.u32 s7, $0x3;
	s31 =	sshrl.u32 s7, $0x2  }
0xc: {  	s11 =	ssub.s32 s6, s10;
	s8 =	sadd.s32 s8, s5;
	s9 =	sadd.s32 s9, s31  }
0xd: {  	s11 =	smax.u32 s11, $0x1;
	s5 =	sadd.s32 $0x600, s8;
	s6 =	sadd.s32 $0xE00, s8  }
0xe: {  	s7 =	sadd.s32 $0x1600, s8;
	s8 =	sadd.s32 $0x1E00, s8;
	s10 =	sadd.s32 $0x10, s9  }
.LBB2_1:
0xf: {  	[tilespmem:s4], [sflag:$0x2] =	stream.linear.gather [hbm4b:s5+s4], $0x200, $0x38;
	[tilespmem:$0x7200] =	vst v63  }
0x10: {  	_ =	swait.ge [sflag:s12], $0x200  }
0x11: {  	[sflag:s12] =	ssyncset.done $0x0  }
0x12: {  	[sflag:s12] =	ssyncadd.s32 $0xFFFFFE00  }
0x13: {  	[tilespmem:s13], [sflag:$0x2] =	stream.linear.gather [hbm4b:s6+s4], $0x200, $0x38;
	[tilespmem:$0x7200] =	vst v63  }
0x14: {  	_ =	swait.ge [sflag:s12], $0x200  }
0x15: {  	[sflag:s12] =	ssyncset.done $0x0  }
0x16: {  	[sflag:s12] =	ssyncadd.s32 $0xFFFFFE00  }
0x17: {  	[tilespmem:s14], [sflag:$0x2] =	stream.linear.gather [hbm4b:s7+s4], $0x200, $0x38;
	[tilespmem:$0x7200] =	vst v63  }
0x18: {  	_ =	swait.ge [sflag:s12], $0x200  }
0x19: {  	[sflag:s12] =	ssyncset.done $0x0  }
0x1a: {  	[sflag:s12] =	ssyncadd.s32 $0xFFFFFE00  }
0x1b: {  	[tilespmem:s15], [sflag:$0x2] =	stream.linear.gather [hbm4b:s8+s4], $0x200, $0x38;
	[tilespmem:$0x7200] =	vst v63  }
0x1c: {  	_ =	swait.ge [sflag:s12], $0x200  }
0x1d: {  	[sflag:s12] =	ssyncset.done $0x0  }
0x1e: {  	s22 =	sand.u32 $0x1F0, s4;
	[sflag:s12] =	ssyncadd.s32 $0xFFFFFE00  }
0x1f: {  	v0 =	vld [tilespmem:s22+$0x600];
	_ =	sdelay $0x1  }
0x20: {  	v1 =	vld [tilespmem:s22+$0x400];
	_ =	sdelay $0x1  }
0x21: {  	v2 =	vld [tilespmem:s4+$0x0]  }
0x22: {  	v3 =	vld [tilespmem:s22+$0x200];
	v0 =	vadd.f32 v0, v0;
	_ =	sdelay $0x1  }
0x23: {  	v0 =	vadd.f32 v0, v1;
	_ =	sdelay $0x1  }
0x24: {  	v1 =	vadd.f32 $3.000000000e+00, v2;
	v0 =	vtrunc.f32 v0  }
0x25: {  	s31 =	simm.s32 $0x800;
	s23 =	simm.s32 $0xA00;
	s25 =	simm.s32 $0xC00;
	v2 =	vadd.f32 $3.000000000e+00, v3;
	v0 =	vcvt.f32.s32 v0  }
0x26: {  	s26 =	simm.s32 $0x10;
	s29 =	simm.s32 $0x20;
	s24 =	simm.s32 $0xA10;
	[tilespmem:s31+$0x0] =	vst v1  }
0x27: {  	s28 =	simm.s32 $0x0;
	s22 =	simm.s32 $0x810;
	[tilespmem:s23+$0x0] =	vst v2;
	s23 =	simm.s32 $0xC10;
	v0 =	vshll.u32 v0, $0x16  }
.LBB2_2:
0x28: {  	s30 =	sand.u32 $0x1F0, s26;
	s28 =	sadd.s32 $0x10, s28  }
0x29: {  	[tilespmem:s25+$0x0] =	vst v0;
	s26 =	smov.u32 s29;
	s31 =	sadd.s32 $0x10, s29;
	s25 =	smov.u32 s23  }
0x2a: {  	p0 =	sne.s32 s29, $0x1F0;
	v0 =	vld [tilespmem:s30+$0x600];
	_ =	sdelay $0x1  }
0x2b: {  	v1 =	vld [tilespmem:s30+$0x400];
	_ =	sdelay $0x1  }
0x2c: {  	v2 =	vld [tilespmem:s28+$0x0]  }
0x2d: {  	v3 =	vld [tilespmem:s30+$0x200];
	v0 =	vadd.f32 v0, v0;
	_ =	sdelay $0x1  }
0x2e: {  	v0 =	vadd.f32 v0, v1  }
.Ltmp0:
0x2f: {  	(pc) =	sbr.rel @p0 .LBB2_2-.Ltmp0, $4  }
0x30: {  	v1 =	vadd.f32 $3.000000000e+00, v2;
	v0 =	vtrunc.f32 v0  }
0x31: {  	v2 =	vadd.f32 $3.000000000e+00, v3;
	v0 =	vcvt.f32.s32 v0  }
0x32: {  	s23 =	sadd.s32 $0x10, s23;
	[tilespmem:s22+$0x0] =	vst v1  }
0x33: {  	s29 =	smov.u32 s31;
	s22 =	sadd.s32 $0x10, s22;
	[tilespmem:s24+$0x0] =	vst v2;
	v0 =	vshll.u32 v0, $0x16;
	s24 =	sadd.s32 $0x10, s24  }
0x34: {  	s26 =	sand.u32 $0x1F0, s26;
	[tilespmem:s25+$0x0] =	vst v0  }
0x35: {  	v0 =	vld [tilespmem:s26+$0x600];
	_ =	sdelay $0x1  }
0x36: {  	v1 =	vld [tilespmem:s26+$0x400]  }
0x37: {  	s31 =	sadd.s32 $0x10, s28  }
0x38: {  	v2 =	vld [tilespmem:s31+$0x0]  }
0x39: {  	v3 =	vld [tilespmem:s26+$0x200];
	v0 =	vadd.f32 v0, v0;
	_ =	sdelay $0x1  }
0x3a: {  	v0 =	vadd.f32 v0, v1;
	_ =	sdelay $0x1  }
0x3b: {  	v62 =	vadd.f32 $3.000000000e+00, v2;
	v0 =	vtrunc.f32 v0  }
0x3c: {  	v63 =	vadd.f32 $3.000000000e+00, v3;
	v0 =	vcvt.f32.s32 v0  }
0x3d: {  	[tilespmem:s22+$0x0] =	vst v62  }
0x3e: {  	[tilespmem:s24+$0x0] =	vst v63;
	v0 =	vshll.u32 v0, $0x16  }
0x3f: {  	s22 =	simm.s32 $0x0;
	[tilespmem:s23+$0x0] =	vst v0;
	s23 =	simm.s32 $0x0  }
.LBB2_4:
0x40: {  	s24 =	simm.s32 $0x810  }
0x41: {  	s25 =	scvt.s32.f32 s23;
	v1 =	vld [tilespmem:s24+$0xFFFFFFF0];
	_ =	sdelay $0x1  }
0x42: {  	s26 =	smul.f32 $7.324218750e-04, s25;
	s25 =	simm.s32 $0xA10  }
0x43: {  	v2 =	vld [tilespmem:s25+$0xFFFFFFF0]  }
0x44: {  	v0 =	vmov s26  }
0x45: {  	v1 =	vadd.f32 v1, v0;
	_ =	sdelay $0x1  }
0x46: {  	v1 =	vmul.f32 $8.533333590e+01, v1  }
0x47: {  	v2 =	vadd.f32 v2, v0  }
0x48: {  	s26 =	simm.s32 $0xC10;
	v1 =	vtrunc.f32 v1  }
0x49: {  	v3 =	vld [tilespmem:s26+$0xFFFFFFF0];
	v2 =	vmul.f32 $8.533333590e+01, v2;
	v1 =	vcvt.f32.s32 v1;
	_ =	sdelay $0x1  }
0x4a: {  	v2 =	vtrunc.f32 v2;
	vm0 =	vgt.s32 v1, $0x0  }
0x4b: {  	s28 =	sshll.u32 s23, $0x12;
	v2 =	vcvt.f32.s32 v2;
	v4 =	vnsel vm0, $0x0, v1  }
0x4c: {  	v1 =	vmov s28;
	v4 =	vmin.u32 v4, $0x1FF  }
0x4d: {  	vm13 =	vgt.s32 v2, $0x0;
	v3 =	vadd.s32 v1, v3;
	v5 =	vshll.u32 v4, $0x9  }
0x4e: {  	v4 =	vshll.u32 v4, $0x7;
	v2 =	vnsel vm13, $0x0, v2;
	v5 =	vand.u32 $0x3F000, v5  }
0x4f: {  	s28 =	sshll.u32 s23, $0x9;
	v2 =	vmin.u32 v2, $0x1FF;
	v4 =	vand.u32 $0x380, v4;
	v3 =	vadd.s32 v5, v3  }
0x50: {  	s30 =	sand.u32 $0x180, s22;
	s29 =	sadd.s32 $0xE00, s28;
	v58 =	vshll.u32 v2, $0x3;
	v2 =	vand.u32 $0x7F, v2;
	v3 =	vadd.s32 v4, v3  }
0x51: {  	s31 =	sand.u32 $0x60, s22;
	s0 =	sadd.s32 s30, s29;
	v59 =	vand.u32 $0xC00, v58;
	v2 =	vadd.s32 v2, v3  }
0x52: {  	s30 =	sadd.s32 s31, s0;
	v2 =	vadd.s32 v59, v2  }
0x53: {  	[tilespmem:s30+$0x0] =	vst v2  }
0x54: {  	v2 =	vld [tilespmem:s24+$0x0];
	_ =	sdelay $0x2  }
0x55: {  	v3 =	vld [tilespmem:s25+$0x0];
	_ =	sdelay $0x1  }
0x56: {  	v2 =	vadd.f32 v2, v0;
	_ =	sdelay $0x1  }
0x57: {  	v2 =	vmul.f32 $8.533333590e+01, v2  }
0x58: {  	v3 =	vadd.f32 v3, v0  }
0x59: {  	v2 =	vtrunc.f32 v2  }
0x5a: {  	v60 =	vld [tilespmem:s26+$0x0];
	v3 =	vmul.f32 $8.533333590e+01, v3;
	v2 =	vcvt.f32.s32 v2;
	_ =	sdelay $0x1  }
0x5b: {  	v3 =	vtrunc.f32 v3;
	vm14 =	vgt.s32 v2, $0x0  }
0x5c: {  	v3 =	vcvt.f32.s32 v3;
	v2 =	vnsel vm14, $0x0, v2  }
0x5d: {  	v2 =	vmin.u32 v2, $0x1FF  }
0x5e: {  	p0 =	por $0x1, $0x1;
	v4 =	vadd.s32 v1, v60;
	vm15 =	vgt.s32 v3, $0x0;
	v61 =	vshll.u32 v2, $0x9  }
.Ltmp1:
0x5f: {  	v3 =	vnsel vm15, $0x0, v3;
	v2 =	vshll.u32 v2, $0x7;
	v5 =	vand.u32 $0x3F000, v61;
	(pc) =	sbr.rel @!p0 .LBB2_6-.Ltmp1, $4  }
0x60: {  	v3 =	vmin.u32 v3, $0x1FF;
	v2 =	vand.u32 $0x380, v2;
	v4 =	vadd.s32 v5, v4  }
0x61: {  	s30 =	simm.s32 $0x10;
	v62 =	vshll.u32 v3, $0x3;
	v3 =	vand.u32 $0x7F, v3;
	v2 =	vadd.s32 v2, v4  }
0x62: {  	s31 =	sand.u32 $0x70, s30;
	v63 =	vand.u32 $0xC00, v62;
	v2 =	vadd.s32 v3, v2  }
0x63: {  	s30 =	simm.s32 $0x20;
	s31 =	sadd.s32 s31, s0;
	v2 =	vadd.s32 v63, v2  }
.LBB2_5:
0x64: {  	[tilespmem:s31+$0x0] =	vst v2;
	s24 =	sadd.s32 $0x20, s24;
	s25 =	sadd.s32 $0x20, s25;
	s26 =	sadd.s32 $0x20, s26  }
0x65: {  	p0 =	sne.s32 s30, $0x1E0;
	s31 =	smov.u32 s30;
	s30 =	sadd.s32 $0x20, s30;
	v2 =	vld [tilespmem:s24+$0xFFFFFFF0]  }
0x66: {  	_ =	sdelay $0x1  }
0x67: {  	v3 =	vld [tilespmem:s25+$0xFFFFFFF0];
	_ =	sdelay $0x1  }
0x68: {  	v2 =	vadd.f32 v2, v0;
	_ =	sdelay $0x1  }
0x69: {  	v2 =	vmul.f32 $8.533333590e+01, v2  }
0x6a: {  	v3 =	vadd.f32 v3, v0  }
0x6b: {  	v2 =	vtrunc.f32 v2  }
0x6c: {  	v3 =	vmul.f32 $8.533333590e+01, v3;
	v2 =	vcvt.f32.s32 v2  }
0x6d: {  	v4 =	vld [tilespmem:s26+$0xFFFFFFF0]  }
0x6e: {  	vm0 =	vgt.s32 v2, $0x0;
	v3 =	vtrunc.f32 v3  }
0x6f: {  	v2 =	vnsel vm0, $0x0, v2;
	v3 =	vcvt.f32.s32 v3  }
0x70: {  	v2 =	vmin.u32 v2, $0x1FF  }
0x71: {  	vm0 =	vgt.s32 v3, $0x0;
	v5 =	vshll.u32 v2, $0x9;
	v2 =	vshll.u32 v2, $0x7  }
0x72: {  	v3 =	vnsel vm0, $0x0, v3;
	v4 =	vadd.s32 v1, v4;
	v5 =	vand.u32 $0x3F000, v5  }
0x73: {  	v2 =	vand.u32 $0x380, v2;
	v3 =	vmin.u32 v3, $0x1FF;
	v4 =	vadd.s32 v5, v4  }
0x74: {  	s0 =	sand.u32 $0x180, s31;
	v5 =	vshll.u32 v3, $0x3;
	v3 =	vand.u32 $0x7F, v3;
	v2 =	vadd.s32 v2, v4  }
0x75: {  	s1 =	sand.u32 $0x60, s31;
	s0 =	sadd.s32 s0, s29;
	v4 =	vand.u32 $0xC00, v5;
	v2 =	vadd.s32 v3, v2  }
0x76: {  	s1 =	sadd.s32 s1, s0;
	v2 =	vadd.s32 v4, v2  }
0x77: {  	[tilespmem:s1+$0x0] =	vst v2  }
0x78: {  	v2 =	vld [tilespmem:s24+$0x0];
	_ =	sdelay $0x2  }
0x79: {  	v3 =	vld [tilespmem:s25+$0x0];
	_ =	sdelay $0x1  }
0x7a: {  	v2 =	vadd.f32 v2, v0;
	_ =	sdelay $0x1  }
0x7b: {  	v2 =	vmul.f32 $8.533333590e+01, v2  }
0x7c: {  	v3 =	vadd.f32 v3, v0  }
0x7d: {  	v2 =	vtrunc.f32 v2  }
0x7e: {  	v3 =	vmul.f32 $8.533333590e+01, v3;
	v2 =	vcvt.f32.s32 v2  }
0x7f: {  	v4 =	vld [tilespmem:s26+$0x0]  }
0x80: {  	vm0 =	vgt.s32 v2, $0x0;
	v3 =	vtrunc.f32 v3  }
0x81: {  	v2 =	vnsel vm0, $0x0, v2;
	v3 =	vcvt.f32.s32 v3  }
0x82: {  	v2 =	vmin.u32 v2, $0x1FF  }
0x83: {  	vm0 =	vgt.s32 v3, $0x0;
	v5 =	vshll.u32 v2, $0x9;
	v2 =	vshll.u32 v2, $0x7  }
.Ltmp2:
0x84: {  	v3 =	vnsel vm0, $0x0, v3;
	v4 =	vadd.s32 v1, v4;
	v5 =	vand.u32 $0x3F000, v5;
	(pc) =	sbr.rel @p0 .LBB2_5-.Ltmp2, $4  }
0x85: {  	v2 =	vand.u32 $0x380, v2;
	v3 =	vmin.u32 v3, $0x1FF;
	v4 =	vadd.s32 v5, v4  }
0x86: {  	s1 =	sadd.s32 $0x10, s31;
	v5 =	vshll.u32 v3, $0x3;
	v3 =	vand.u32 $0x7F, v3;
	v2 =	vadd.s32 v2, v4  }
0x87: {  	s1 =	sand.u32 $0x70, s1;
	v4 =	vand.u32 $0xC00, v5;
	v2 =	vadd.s32 v3, v2  }
0x88: {  	s31 =	sadd.s32 s1, s0;
	v2 =	vadd.s32 v4, v2  }
.LBB2_6:
0x89: {  	s23 =	sadd.s32 $0x1, s23  }
0x8a: {  	p0 =	sne.s32 s23, $0x10  }
.Ltmp3:
0x8b: {  	_ = 	snop;
	(pc) =	sbr.rel @p0 .LBB2_4-.Ltmp3, $4  }
0x8c: {  	[tilespmem:s31+$0x0] =	vst v2;
	s0 =	sadd.s32 $0x2E00, s28  }
0x8d: {  	[tilespmem:s0], [sflag:$0x1] =	stream.indirect.gather [hbm4b:s2+s13], $0x1, s29, s13, $0xb8;
	[tilespmem:$0x7200] =	vst v63  }
0x8e: {  	s31 =	sadd.s32 $0x4E00, s28  }
0x8f: {  	[tilespmem:s31], [sflag:$0x1] =	stream.indirect.gather [hbm4b:s3+s13], $0x1, s29, s13, $0xb8;
	[tilespmem:$0x7200] =	vst v63  }
0x90: {  	_ =	swait.ge [sflag:s16], $0x200  }
0x91: {  	[sflag:s16] =	ssyncset.done $0x0  }
0x92: {  	[sflag:s16] =	ssyncadd.s32 $0xFFFFFE00  }
0x93: {  	_ =	swait.ge [sflag:s16], $0x200  }
0x94: {  	[sflag:s16] =	ssyncset.done $0x0  }
0x95: {  	[sflag:s16] =	ssyncadd.s32 $0xFFFFFE00  }
0x96: {  	_ =	swait.ge [sflag:s16], $0x200  }
0x97: {  	[sflag:s16] =	ssyncset.done $0x0  }
0x98: {  	[sflag:s16] =	ssyncadd.s32 $0xFFFFFE00  }
0x99: {  	_ =	swait.ge [sflag:s16], $0x200  }
0x9a: {  	[sflag:s16] =	ssyncset.done $0x0  }
0x9b: {  	[sflag:s16] =	ssyncadd.s32 $0xFFFFFE00  }
0x9c: {  	_ =	swait.ge [sflag:s16], $0x200  }
0x9d: {  	[sflag:s16] =	ssyncset.done $0x0  }
0x9e: {  	[sflag:s16] =	ssyncadd.s32 $0xFFFFFE00  }
0x9f: {  	_ =	swait.ge [sflag:s16], $0x200  }
0xa0: {  	[sflag:s16] =	ssyncset.done $0x0  }
0xa1: {  	[sflag:s16] =	ssyncadd.s32 $0xFFFFFE00  }
0xa2: {  	_ =	swait.ge [sflag:s16], $0x200  }
0xa3: {  	[sflag:s16] =	ssyncset.done $0x0  }
0xa4: {  	[sflag:s16] =	ssyncadd.s32 $0xFFFFFE00  }
0xa5: {  	_ =	swait.ge [sflag:s16], $0x200  }
0xa6: {  	[sflag:s16] =	ssyncset.done $0x0  }
0xa7: {  	[sflag:s16] =	ssyncadd.s32 $0xFFFFFE00  }
0xa8: {  	_ =	swait.ge [sflag:s16], $0x200  }
0xa9: {  	[sflag:s16] =	ssyncset.done $0x0  }
0xaa: {  	[sflag:s16] =	ssyncadd.s32 $0xFFFFFE00  }
0xab: {  	_ =	swait.ge [sflag:s16], $0x200  }
0xac: {  	[sflag:s16] =	ssyncset.done $0x0  }
0xad: {  	[sflag:s16] =	ssyncadd.s32 $0xFFFFFE00  }
0xae: {  	_ =	swait.ge [sflag:s16], $0x200  }
0xaf: {  	[sflag:s16] =	ssyncset.done $0x0  }
0xb0: {  	[sflag:s16] =	ssyncadd.s32 $0xFFFFFE00  }
0xb1: {  	_ =	swait.ge [sflag:s16], $0x200  }
0xb2: {  	[sflag:s16] =	ssyncset.done $0x0  }
0xb3: {  	[sflag:s16] =	ssyncadd.s32 $0xFFFFFE00  }
0xb4: {  	_ =	swait.ge [sflag:s16], $0x200  }
0xb5: {  	[sflag:s16] =	ssyncset.done $0x0  }
0xb6: {  	[sflag:s16] =	ssyncadd.s32 $0xFFFFFE00  }
0xb7: {  	_ =	swait.ge [sflag:s16], $0x200  }
0xb8: {  	[sflag:s16] =	ssyncset.done $0x0  }
0xb9: {  	[sflag:s16] =	ssyncadd.s32 $0xFFFFFE00  }
0xba: {  	_ =	swait.ge [sflag:s16], $0x200  }
0xbb: {  	[sflag:s16] =	ssyncset.done $0x0  }
0xbc: {  	[sflag:s16] =	ssyncadd.s32 $0xFFFFFE00  }
0xbd: {  	_ =	swait.ge [sflag:s16], $0x200  }
0xbe: {  	[sflag:s16] =	ssyncset.done $0x0  }
0xbf: {  	[sflag:s16] =	ssyncadd.s32 $0xFFFFFE00  }
0xc0: {  	_ =	swait.ge [sflag:s16], $0x200  }
0xc1: {  	[sflag:s16] =	ssyncset.done $0x0  }
0xc2: {  	[sflag:s16] =	ssyncadd.s32 $0xFFFFFE00  }
0xc3: {  	_ =	swait.ge [sflag:s16], $0x200  }
0xc4: {  	[sflag:s16] =	ssyncset.done $0x0  }
0xc5: {  	[sflag:s16] =	ssyncadd.s32 $0xFFFFFE00  }
0xc6: {  	_ =	swait.ge [sflag:s16], $0x200  }
0xc7: {  	[sflag:s16] =	ssyncset.done $0x0  }
0xc8: {  	[sflag:s16] =	ssyncadd.s32 $0xFFFFFE00  }
0xc9: {  	_ =	swait.ge [sflag:s16], $0x200  }
0xca: {  	[sflag:s16] =	ssyncset.done $0x0  }
0xcb: {  	[sflag:s16] =	ssyncadd.s32 $0xFFFFFE00  }
0xcc: {  	_ =	swait.ge [sflag:s16], $0x200  }
0xcd: {  	[sflag:s16] =	ssyncset.done $0x0  }
0xce: {  	[sflag:s16] =	ssyncadd.s32 $0xFFFFFE00  }
0xcf: {  	_ =	swait.ge [sflag:s16], $0x200  }
0xd0: {  	[sflag:s16] =	ssyncset.done $0x0  }
0xd1: {  	[sflag:s16] =	ssyncadd.s32 $0xFFFFFE00  }
0xd2: {  	_ =	swait.ge [sflag:s16], $0x200  }
0xd3: {  	[sflag:s16] =	ssyncset.done $0x0  }
0xd4: {  	[sflag:s16] =	ssyncadd.s32 $0xFFFFFE00  }
0xd5: {  	_ =	swait.ge [sflag:s16], $0x200  }
0xd6: {  	[sflag:s16] =	ssyncset.done $0x0  }
0xd7: {  	[sflag:s16] =	ssyncadd.s32 $0xFFFFFE00  }
0xd8: {  	_ =	swait.ge [sflag:s16], $0x200  }
0xd9: {  	[sflag:s16] =	ssyncset.done $0x0  }
0xda: {  	[sflag:s16] =	ssyncadd.s32 $0xFFFFFE00  }
0xdb: {  	_ =	swait.ge [sflag:s16], $0x200  }
0xdc: {  	[sflag:s16] =	ssyncset.done $0x0  }
0xdd: {  	[sflag:s16] =	ssyncadd.s32 $0xFFFFFE00  }
0xde: {  	_ =	swait.ge [sflag:s16], $0x200  }
0xdf: {  	[sflag:s16] =	ssyncset.done $0x0  }
0xe0: {  	[sflag:s16] =	ssyncadd.s32 $0xFFFFFE00  }
0xe1: {  	_ =	swait.ge [sflag:s16], $0x200  }
0xe2: {  	[sflag:s16] =	ssyncset.done $0x0  }
0xe3: {  	[sflag:s16] =	ssyncadd.s32 $0xFFFFFE00  }
0xe4: {  	_ =	swait.ge [sflag:s16], $0x200  }
0xe5: {  	[sflag:s16] =	ssyncset.done $0x0  }
0xe6: {  	[sflag:s16] =	ssyncadd.s32 $0xFFFFFE00  }
0xe7: {  	_ =	swait.ge [sflag:s16], $0x200  }
0xe8: {  	[sflag:s16] =	ssyncset.done $0x0  }
0xe9: {  	[sflag:s16] =	ssyncadd.s32 $0xFFFFFE00  }
0xea: {  	_ =	swait.ge [sflag:s16], $0x200  }
0xeb: {  	[sflag:s16] =	ssyncset.done $0x0  }
0xec: {  	[sflag:s16] =	ssyncadd.s32 $0xFFFFFE00  }
0xed: {  	_ =	swait.ge [sflag:s16], $0x200  }
0xee: {  	[sflag:s16] =	ssyncset.done $0x0  }
0xef: {  	s22 =	simm.s32 $0x0;
	[sflag:s16] =	ssyncadd.s32 $0xFFFFFE00  }
0xf0: {  	v0 =	vld [tilespmem:s22+$0x4E00]  }
0xf1: {  	v1 =	vld [tilespmem:s22+$0x5000]  }
0xf2: {  	v2 =	vld [tilespmem:s22+$0x2E00]  }
0xf3: {  	v3 =	vld [tilespmem:s22+$0x5200]  }
0xf4: {  	v4 =	vld [tilespmem:s22+$0x3000]  }
0xf5: {  	v5 =	vld [tilespmem:s22+$0x5400]  }
0xf6: {  	v0 =	vadd.f32 v1, v0;
	v1 =	vld [tilespmem:s22+$0x3200]  }
0xf7: {  	v6 =	vld [tilespmem:s22+$0x5600]  }
0xf8: {  	v0 =	vadd.f32 v3, v0;
	v3 =	vld [tilespmem:s22+$0x3400]  }
0xf9: {  	v7 =	vld [tilespmem:s22+$0x5800];
	v2 =	vadd.f32 v4, v2  }
0xfa: {  	v4 =	vld [tilespmem:s22+$0x3600];
	v0 =	vadd.f32 v5, v0  }
0xfb: {  	v5 =	vld [tilespmem:s22+$0x5A00];
	v1 =	vadd.f32 v1, v2  }
0xfc: {  	v2 =	vld [tilespmem:s22+$0x3800];
	v0 =	vadd.f32 v6, v0  }
0xfd: {  	v6 =	vld [tilespmem:s22+$0x5C00];
	v1 =	vadd.f32 v3, v1  }
0xfe: {  	v3 =	vld [tilespmem:s22+$0x3A00];
	v0 =	vadd.f32 v7, v0  }
0xff: {  	v7 =	vld [tilespmem:s22+$0x5E00];
	v1 =	vadd.f32 v4, v1  }
0x100: {  	v4 =	vld [tilespmem:s22+$0x3C00];
	v0 =	vadd.f32 v5, v0  }
0x101: {  	v5 =	vld [tilespmem:s22+$0x6000];
	v1 =	vadd.f32 v2, v1  }
0x102: {  	v2 =	vld [tilespmem:s22+$0x3E00];
	v0 =	vadd.f32 v6, v0  }
0x103: {  	v6 =	vld [tilespmem:s22+$0x6200];
	v1 =	vadd.f32 v3, v1  }
0x104: {  	v3 =	vld [tilespmem:s22+$0x4000];
	v0 =	vadd.f32 v7, v0  }
0x105: {  	v7 =	vld [tilespmem:s22+$0x6400];
	v1 =	vadd.f32 v4, v1  }
0x106: {  	v4 =	vld [tilespmem:s22+$0x4200];
	v0 =	vadd.f32 v5, v0  }
0x107: {  	v5 =	vld [tilespmem:s22+$0x6600];
	v1 =	vadd.f32 v2, v1  }
0x108: {  	v0 =	vadd.f32 v6, v0;
	v6 =	vld [tilespmem:s22+$0x4400]  }
0x109: {  	v8 =	vld [tilespmem:s22+$0x6800];
	v1 =	vadd.f32 v3, v1  }
0x10a: {  	v0 =	vadd.f32 v7, v0;
	v7 =	vld [tilespmem:s22+$0x4600]  }
0x10b: {  	v9 =	vld [tilespmem:s22+$0x6A00];
	v1 =	vadd.f32 v4, v1  }
0x10c: {  	v2 =	vld [tilespmem:s22+$0x4800];
	v0 =	vadd.f32 v5, v0  }
0x10d: {  	v3 =	vld [tilespmem:s22+$0x6C00];
	v5 =	vadd.f32 v6, v1  }
0x10e: {  	v4 =	vld [tilespmem:s22+$0x4A00];
	v6 =	vadd.f32 v8, v0  }
0x10f: {  	s23 =	simm.s32 $0x10;
	v1 =	vld [tilespmem:s22+$0x4C00];
	v5 =	vadd.f32 v7, v5  }
0x110: {  	s24 =	simm.s32 $0x80;
	v0 =	vld [tilespmem:s23+$0x4E00];
	v6 =	vadd.f32 v9, v6  }
.LBB2_8:
0x111: {  	p0 =	sne.s32 s24, $0x7C0;
	v7 =	vld [tilespmem:s23+$0x5000];
	v2 =	vadd.f32 v2, v5  }
0x112: {  	v5 =	vld [tilespmem:s23+$0x2E00];
	v3 =	vadd.f32 v3, v6  }
0x113: {  	v6 =	vld [tilespmem:s23+$0x5200];
	v2 =	vadd.f32 v4, v2  }
0x114: {  	v4 =	vld [tilespmem:s23+$0x3000];
	[tilespmem:s22+$0x7000] =	vst v3  }
0x115: {  	v3 =	vld [tilespmem:s23+$0x5400];
	v1 =	vadd.f32 v1, v2  }
0x116: {  	v0 =	vadd.f32 v7, v0;
	v2 =	vld [tilespmem:s23+$0x3200]  }
0x117: {  	v7 =	vld [tilespmem:s23+$0x5600];
	[tilespmem:s22+$0x6E00] =	vst v1;
	s22 =	smov.u32 s23  }
0x118: {  	v0 =	vadd.f32 v6, v0;
	v1 =	vld [tilespmem:s22+$0x3400]  }
0x119: {  	v4 =	vadd.f32 v4, v5;
	v5 =	vld [tilespmem:s22+$0x5800]  }
0x11a: {  	v0 =	vadd.f32 v3, v0;
	v3 =	vld [tilespmem:s22+$0x3600]  }
0x11b: {  	v2 =	vadd.f32 v2, v4;
	v4 =	vld [tilespmem:s22+$0x5A00]  }
0x11c: {  	v0 =	vadd.f32 v7, v0;
	v6 =	vld [tilespmem:s22+$0x3800]  }
0x11d: {  	v1 =	vadd.f32 v1, v2;
	v2 =	vld [tilespmem:s22+$0x5C00]  }
0x11e: {  	v0 =	vadd.f32 v5, v0;
	v5 =	vld [tilespmem:s22+$0x3A00]  }
0x11f: {  	v1 =	vadd.f32 v3, v1;
	v3 =	vld [tilespmem:s22+$0x5E00]  }
0x120: {  	v0 =	vadd.f32 v4, v0;
	v4 =	vld [tilespmem:s22+$0x3C00]  }
0x121: {  	v1 =	vadd.f32 v6, v1;
	v6 =	vld [tilespmem:s22+$0x6000]  }
0x122: {  	v0 =	vadd.f32 v2, v0;
	v2 =	vld [tilespmem:s22+$0x3E00]  }
0x123: {  	v1 =	vadd.f32 v5, v1;
	v5 =	vld [tilespmem:s22+$0x6200]  }
0x124: {  	v0 =	vadd.f32 v3, v0;
	v3 =	vld [tilespmem:s22+$0x4000]  }
0x125: {  	v1 =	vadd.f32 v4, v1;
	v4 =	vld [tilespmem:s22+$0x6400]  }
0x126: {  	v0 =	vadd.f32 v6, v0;
	v6 =	vld [tilespmem:s22+$0x4200]  }
0x127: {  	v1 =	vadd.f32 v2, v1;
	v2 =	vld [tilespmem:s22+$0x6600]  }
0x128: {  	v0 =	vadd.f32 v5, v0;
	v5 =	vld [tilespmem:s22+$0x4400]  }
0x129: {  	v1 =	vadd.f32 v3, v1;
	v7 =	vld [tilespmem:s22+$0x6800]  }
0x12a: {  	v0 =	vadd.f32 v4, v0;
	v8 =	vld [tilespmem:s22+$0x4600]  }
0x12b: {  	v1 =	vadd.f32 v6, v1;
	v6 =	vld [tilespmem:s22+$0x6A00]  }
.Ltmp4:
0x12c: {  	v0 =	vadd.f32 v2, v0;
	v2 =	vld [tilespmem:s22+$0x4800];
	(pc) =	sbr.rel @p0 .LBB2_8-.Ltmp4, $4  }
0x12d: {  	v1 =	vadd.f32 v5, v1;
	v3 =	vld [tilespmem:s22+$0x6C00]  }
0x12e: {  	v7 =	vadd.f32 v7, v0;
	v4 =	vld [tilespmem:s22+$0x4A00]  }
0x12f: {  	s23 =	sshra.s32 s24, $0x2;
	v5 =	vadd.f32 v8, v1;
	v1 =	vld [tilespmem:s22+$0x4C00]  }
0x130: {  	s24 =	sadd.s32 $0x40, s24;
	v0 =	vld [tilespmem:s23+$0x4E00];
	v6 =	vadd.f32 v6, v7  }
0x131: {  	v7 =	vld [tilespmem:s23+$0x5000];
	v2 =	vadd.f32 v2, v5  }
0x132: {  	v8 =	vld [tilespmem:s23+$0x2E00];
	v3 =	vadd.f32 v3, v6  }
0x133: {  	v37 =	vld [tilespmem:s23+$0x5200];
	v2 =	vadd.f32 v4, v2  }
0x134: {  	v38 =	vld [tilespmem:s23+$0x3000];
	[tilespmem:s22+$0x7000] =	vst v3  }
0x135: {  	v3 =	vld [tilespmem:s23+$0x5400];
	v1 =	vadd.f32 v1, v2  }
0x136: {  	v39 =	vld [tilespmem:s23+$0x3200]  }
0x137: {  	v40 =	vld [tilespmem:s23+$0x5600];
	[tilespmem:s22+$0x6E00] =	vst v1  }
0x138: {  	v0 =	vadd.f32 v7, v0;
	v1 =	vld [tilespmem:s23+$0x3400]  }
0x139: {  	v6 =	vadd.f32 v38, v8  }
0x13a: {  	v0 =	vadd.f32 v37, v0;
	v41 =	vld [tilespmem:s23+$0x3600]  }
0x13b: {  	v42 =	vld [tilespmem:s23+$0x5800];
	v2 =	vadd.f32 v39, v6  }
0x13c: {  	v43 =	vld [tilespmem:s23+$0x3800];
	v0 =	vadd.f32 v3, v0  }
0x13d: {  	v44 =	vld [tilespmem:s23+$0x5A00];
	v1 =	vadd.f32 v1, v2  }
0x13e: {  	v45 =	vld [tilespmem:s23+$0x3A00];
	v0 =	vadd.f32 v40, v0  }
0x13f: {  	v46 =	vld [tilespmem:s23+$0x5C00];
	v1 =	vadd.f32 v41, v1  }
0x140: {  	v47 =	vld [tilespmem:s23+$0x3C00];
	v0 =	vadd.f32 v42, v0  }
0x141: {  	v48 =	vld [tilespmem:s23+$0x5E00];
	v1 =	vadd.f32 v43, v1  }
0x142: {  	v49 =	vld [tilespmem:s23+$0x3E00];
	v0 =	vadd.f32 v44, v0  }
0x143: {  	v50 =	vld [tilespmem:s23+$0x6000];
	v1 =	vadd.f32 v45, v1  }
0x144: {  	v51 =	vld [tilespmem:s23+$0x4000];
	v0 =	vadd.f32 v46, v0  }
0x145: {  	v52 =	vld [tilespmem:s23+$0x6200];
	v1 =	vadd.f32 v47, v1  }
0x146: {  	v53 =	vld [tilespmem:s23+$0x4200];
	v0 =	vadd.f32 v48, v0  }
0x147: {  	v54 =	vld [tilespmem:s23+$0x6400];
	v1 =	vadd.f32 v49, v1  }
0x148: {  	v55 =	vld [tilespmem:s23+$0x4400];
	v0 =	vadd.f32 v50, v0  }
0x149: {  	v56 =	vld [tilespmem:s23+$0x6600];
	v1 =	vadd.f32 v51, v1  }
0x14a: {  	v57 =	vld [tilespmem:s23+$0x4600];
	v0 =	vadd.f32 v52, v0  }
0x14b: {  	v58 =	vld [tilespmem:s23+$0x6800];
	v1 =	vadd.f32 v53, v1  }
0x14c: {  	v59 =	vld [tilespmem:s23+$0x4800];
	v0 =	vadd.f32 v54, v0  }
0x14d: {  	v60 =	vld [tilespmem:s23+$0x6A00];
	v1 =	vadd.f32 v55, v1  }
0x14e: {  	v61 =	vld [tilespmem:s23+$0x4A00];
	v0 =	vadd.f32 v56, v0  }
0x14f: {  	v62 =	vld [tilespmem:s23+$0x6C00];
	v1 =	vadd.f32 v57, v1  }
0x150: {  	v63 =	vld [tilespmem:s23+$0x4C00];
	v0 =	vadd.f32 v58, v0  }
0x151: {  	v1 =	vadd.f32 v59, v1  }
0x152: {  	v0 =	vadd.f32 v60, v0  }
0x153: {  	v1 =	vadd.f32 v61, v1  }
0x154: {  	v0 =	vadd.f32 v62, v0  }
0x155: {  	v1 =	vadd.f32 v63, v1  }
0x156: {  	[tilespmem:s23+$0x7000] =	vst v0  }
0x157: {  	[tilespmem:s23+$0x6E00] =	vst v1  }
0x158: {  	[hbm4b:s9+s17] =	stream.strided.scatter [tilespmem:s19], [sflag:$0x2], $0x200, s18, s17, $0x38;
	[tilespmem:$0x7200] =	vst v63  }
0x159: {  	s21 =	sadd.s32 $0x1, s21;
	_ =	swait.ge [sflag:s12], $0x200  }
0x15a: {  	p0 =	sne.s32 s21, s11;
	[sflag:s12] =	ssyncset.done $0x0  }
.Ltmp5:
0x15b: {  	[sflag:s12] =	ssyncadd.s32 $0xFFFFFE00;
	(pc) =	sbr.rel @p0 .LBB2_1-.Ltmp5, $4  }
0x15c: {  	[hbm4b:s10+s17] =	stream.strided.scatter [tilespmem:s20], [sflag:$0x2], $0x200, s18, s17, $0x38;
	[tilespmem:$0x7200] =	vst v63  }
0x15d: {  	_ =	swait.ge [sflag:s12], $0x200  }
0x15e: {  	[sflag:s12] =	ssyncset.done $0x0  }
0x15f: {  	[sflag:s12] =	ssyncadd.s32 $0xFFFFFE00  }
0x160: {  	_ =	sfence.sel $0x180000  }
0x161: {  	[bflag:$0x0] =	sbarrier.arrive $0xFFFF  }
0x162: {  	_ =	strace $0x90000047  }
0x163: {  	s0 =	stileid.u32;
	[bflag:$0x2] =	sbarrier.arrive $0xFFFF  }
0x164: {  	p0 =	sne.s32 s0, $0x0;
	s0 =	rddreg [dreg:$0x4]  }
0x165: {  	s0 =	sadd.s32 @!p0 $0x100000, s0  }
0x166: {  	[sflag:s0] =	ssyncadd.tile.s32 @!p0 $0x1;
	_ =	shalt  }
.Lfunc_end2:
_tile_overlayer_lowered:
.L_overlay_start_2:
0x167: {  	(tag) =	ssettag $0x2  }
0x168: {  	s0 =	rddreg [dreg:$0x0];
	s2 =	stileid.u32  }
0x169: {  	s1 =	rddreg [dreg:$0x1];
	p0 =	sne.s32 s2, $0x0  }
0x16a: {  	s3 =	rddreg [dreg:$0x2];
	[bflag:$0x3] =	sbarrier.arrive $0xFFFF;
	s2 =	simm.s32 @!p0 $0x1C02  }
0x16b: {  	[timem:s3], [sflag:s2] =	dma.local @!p0 [hbm:s0], s1  }
0x16c: {  	s0 =	simm.s32 @!p0 $0x2  }
0x16d: {  	_ =	swait.ge @!p0 [sflag:s0], s1  }
0x16e: {  	s1 =	ssub.s32 @!p0 $0x0, s1;
	[sflag:s0] =	ssyncset.done @!p0 $0x0  }
0x16f: {  	[sflag:s0] =	ssyncadd.s32 @!p0 s1  }
0x170: {  	[bflag:$0x3] =	sbarrier.arrive $0xFFFF  }
0x171: {  	_ =	shalt  }

</sc_bundles>
